<compile_context>
chip_gen: v7x
topology: tpu7x:2x2x1
jax: 0.10.2.dev20260603
libtpu: 0.0.44.dev20260713+nightly
codegen_flags: <defaults>
</compile_context>

<pallas_src>
import functools

import jax
import jax.numpy as jnp
import numpy as np
from jax import lax
from jax.experimental import pallas as pl
from jax.experimental.pallas import tpu as pltpu
from jax.experimental.pallas import tpu_sc as plsc

_PC0 = np.float32(-75.2)
_VS = np.float32(0.1)
_STRIDE = np.float32(8.0)

_B = 4
_BH = 2
_N = 4096
_H = 188
_W = 188
_HW = _H * _W
_CIN = 256
_COUT = 128
_NPTS = _B * _N
_NPTS_H = _BH * _N
_NROWS_H = 4 * _NPTS_H

_PT = 2048


def _proj_body(x_ref, w_ref, o_ref):
    x = x_ref[0]
    w = w_ref[...]
    o_ref[0] = lax.dot_general(
        x, w, (((0,), (1,)), ((), ())), preferred_element_type=jnp.float32)


def _project(bev_flat, w):
    return pl.pallas_call(
        _proj_body,
        grid=(_BH, (_HW + _PT - 1) // _PT),
        in_specs=[
            pl.BlockSpec((1, _CIN, _PT), lambda b, t: (b, 0, t)),
            pl.BlockSpec((_COUT, _CIN), lambda b, t: (0, 0)),
        ],
        out_specs=pl.BlockSpec((1, _PT, _COUT), lambda b, t: (b, t, 0)),
        out_shape=jax.ShapeDtypeStruct((_BH, _HW, _COUT), jnp.float32),
        compiler_params=pltpu.CompilerParams(
            dimension_semantics=("parallel", "parallel")),
    )(bev_flat, w)


def _idxw_body(xs_ref, ys_ref, idx_ref, w_ref):
    xs = xs_ref[...]
    ys = ys_ref[...]
    xi = ((xs - _PC0) / _VS) / _STRIDE
    yi = ((ys - _PC0) / _VS) / _STRIDE
    x0 = jnp.floor(xi).astype(jnp.int32)
    y0 = jnp.floor(yi).astype(jnp.int32)
    x0c = jnp.clip(x0, 0, _W - 1)
    x1c = jnp.clip(x0 + 1, 0, _W - 1)
    y0c = jnp.clip(y0, 0, _H - 1)
    y1c = jnp.clip(y0 + 1, 0, _H - 1)
    x0f = x0c.astype(jnp.float32)
    x1f = x1c.astype(jnp.float32)
    y0f = y0c.astype(jnp.float32)
    y1f = y1c.astype(jnp.float32)
    w_ref[0] = (x1f - xi) * (y1f - yi)
    w_ref[1] = (x1f - xi) * (yi - y0f)
    w_ref[2] = (xi - x0f) * (y1f - yi)
    w_ref[3] = (xi - x0f) * (yi - y0f)
    base = (lax.broadcasted_iota(jnp.int32, (_B, _N), 0) % _BH) * _HW
    idx_ref[0] = base + y0c * _W + x0c
    idx_ref[1] = base + y1c * _W + x0c
    idx_ref[2] = base + y0c * _W + x1c
    idx_ref[3] = base + y1c * _W + x1c


def _idx_weights(xs, ys):
    return pl.pallas_call(
        _idxw_body,
        in_specs=[
            pl.BlockSpec((_B, _N), lambda: (0, 0)),
            pl.BlockSpec((_B, _N), lambda: (0, 0)),
        ],
        out_specs=[
            pl.BlockSpec((4, _B, _N), lambda: (0, 0, 0)),
            pl.BlockSpec((4, _B, _N), lambda: (0, 0, 0)),
        ],
        out_shape=[
            jax.ShapeDtypeStruct((4, _B, _N), jnp.int32),
            jax.ShapeDtypeStruct((4, _B, _N), jnp.float32),
        ],
    )(xs, ys)


_NW = 32
_RPW = _NROWS_H // _NW
_Q = 128
_NCH = _RPW // _Q


def _gather_rows(table, idx_flat):
    mesh = plsc.VectorSubcoreMesh(core_axis_name="c", subcore_axis_name="s")

    @functools.partial(
        pl.kernel,
        mesh=mesh,
        out_type=jax.ShapeDtypeStruct((_NROWS_H, _COUT), jnp.float32),
        scratch_types=[
            pltpu.VMEM((_Q,), jnp.int32),
            pltpu.VMEM((_Q, _COUT), jnp.float32),
            pltpu.SemaphoreType.DMA,
        ],
    )
    def k(table_hbm, idx_hbm, out_hbm, idx_v, rows_v, sem):
        wid = lax.axis_index("s") * 2 + lax.axis_index("c")
        base = pl.multiple_of(wid * _RPW, _Q)
        for c in range(_NCH):
            off = pl.multiple_of(base + c * _Q, _Q)
            pltpu.sync_copy(idx_hbm.at[pl.ds(off, _Q)], idx_v)
            pltpu.async_copy(table_hbm.at[idx_v], rows_v, sem).wait()
            pltpu.sync_copy(rows_v, out_hbm.at[pl.ds(off, _Q)])

    return k(table, idx_flat)


_TP = 1024


def _wsum_body(g_ref, w_ref, h_ref, stats_ref, acc):
    t = pl.program_id(0)
    w = w_ref[...]
    g = g_ref[...]
    h = (g[0] * w[0][:, None]
         + g[1] * w[1][:, None]
         + g[2] * w[2][:, None]
         + g[3] * w[3][:, None])
    h_ref[...] = h

    @pl.when(t == 0)
    def _():
        acc[...] = jnp.zeros_like(acc)

    acc[0:1] += jnp.sum(h, axis=0, keepdims=True)
    acc[1:2] += jnp.sum(h * h, axis=0, keepdims=True)

    @pl.when(t == pl.num_programs(0) - 1)
    def _():
        stats_ref[...] = acc[...]


def _wsum_stats(g, w4):
    return pl.pallas_call(
        _wsum_body,
        grid=(_NPTS_H // _TP,),
        in_specs=[
            pl.BlockSpec((4, _TP, _COUT), lambda t: (0, t, 0)),
            pl.BlockSpec((4, _TP), lambda t: (0, t)),
        ],
        out_specs=[
            pl.BlockSpec((_TP, _COUT), lambda t: (t, 0)),
            pl.BlockSpec((8, _COUT), lambda t: (0, 0)),
        ],
        out_shape=[
            jax.ShapeDtypeStruct((_NPTS_H, _COUT), jnp.float32),
            jax.ShapeDtypeStruct((8, _COUT), jnp.float32),
        ],
        scratch_shapes=[pltpu.VMEM((8, _COUT), jnp.float32)],
    )(g, w4)


_TB = 2048
_NTB_H = _NPTS_H // _TB


def _bn_body(ha_ref, hb_ref, sa_ref, sb_ref, gam_ref, bet_ref, o_ref):
    t = pl.program_id(0)
    inv_n = np.float32(1.0 / _NPTS)
    stats = sa_ref[...] + sb_ref[...]
    mean = stats[0:1] * inv_n
    var = stats[1:2] * inv_n - mean * mean
    h = jnp.where(t < _NTB_H, ha_ref[...], hb_ref[...])
    hn = (h - mean) / jnp.sqrt(var + np.float32(1e-5))
    o_ref[...] = jnp.maximum(hn * gam_ref[...] + bet_ref[...], 0.0)


def _bn_relu(h_a, h_b, stats_a, stats_b, gamma2d, beta2d):
    return pl.pallas_call(
        _bn_body,
        grid=(_NPTS // _TB,),
        in_specs=[
            pl.BlockSpec((_TB, _COUT),
                         lambda t: (jnp.minimum(t, _NTB_H - 1), 0)),
            pl.BlockSpec((_TB, _COUT),
                         lambda t: (jnp.maximum(t - _NTB_H, 0), 0)),
            pl.BlockSpec((8, _COUT), lambda t: (0, 0)),
            pl.BlockSpec((8, _COUT), lambda t: (0, 0)),
            pl.BlockSpec((1, _COUT), lambda t: (0, 0)),
            pl.BlockSpec((1, _COUT), lambda t: (0, 0)),
        ],
        out_specs=pl.BlockSpec((_TB, _COUT), lambda t: (t, 0)),
        out_shape=jax.ShapeDtypeStruct((_NPTS, _COUT), jnp.float32),
    )(h_a, h_b, stats_a, stats_b, gamma2d, beta2d)


def kernel(keypoints, bev_features, W, gamma, beta):
    bev_flat = bev_features.reshape(_B, _CIN, _HW)

    xs = keypoints[:, :, 0]
    ys = keypoints[:, :, 1]
    idx4, w4 = _idx_weights(xs, ys)

    proj_a = _project(bev_flat[:_BH], W).reshape(_BH * _HW, _COUT)
    proj_b = _project(bev_flat[_BH:], W).reshape(_BH * _HW, _COUT)

    idx_a = idx4[:, :_BH].reshape(_NROWS_H)
    idx_b = idx4[:, _BH:].reshape(_NROWS_H)
    w_a = w4[:, :_BH].reshape(4, _NPTS_H)
    w_b = w4[:, _BH:].reshape(4, _NPTS_H)

    g_a = _gather_rows(proj_a, idx_a).reshape(4, _NPTS_H, _COUT)
    g_b = _gather_rows(proj_b, idx_b).reshape(4, _NPTS_H, _COUT)

    h_a, stats_a = _wsum_stats(g_a, w_a)
    h_b, stats_b = _wsum_stats(g_b, w_b)
    return _bn_relu(h_a, h_b, stats_a, stats_b,
                    gamma.reshape(1, _COUT), beta.reshape(1, _COUT))

# --- scband reference (transcript-rebuilt; emitter-appended) ---
"""Pipeline reference for scband-voxel-set-abstraction-range-81982335746526 (READ-ONLY COPY).

The authoritative reference and input builder live on the scoring server;
editing this copy changes nothing except your own understanding.
"""

import jax, jax.numpy as jnp
import numpy as np

PC_RANGE = np.array([-75.2, -75.2, -2.0, 75.2, 75.2, 4.0], dtype=np.float32)
VOXEL_SIZE = np.array([0.1, 0.1, 0.15], dtype=np.float32)
BEV_STRIDE = 8.0


def bilinear_interpolate(im, x, y):
    # im: (H, W, C), x/y: (N,) fractional pixel coords -- faithful port of bilinear_interpolate_torch
    x0 = jnp.floor(x).astype(jnp.int32)
    x1 = x0 + 1
    y0 = jnp.floor(y).astype(jnp.int32)
    y1 = y0 + 1
    x0 = jnp.clip(x0, 0, im.shape[1] - 1)
    x1 = jnp.clip(x1, 0, im.shape[1] - 1)
    y0 = jnp.clip(y0, 0, im.shape[0] - 1)
    y1 = jnp.clip(y1, 0, im.shape[0] - 1)
    Ia = im[y0, x0]
    Ib = im[y1, x0]
    Ic = im[y0, x1]
    Id = im[y1, x1]
    wa = (x1.astype(x.dtype) - x) * (y1.astype(y.dtype) - y)
    wb = (x1.astype(x.dtype) - x) * (y - y0.astype(y.dtype))
    wc = (x - x0.astype(x.dtype)) * (y1.astype(y.dtype) - y)
    wd = (x - x0.astype(x.dtype)) * (y - y0.astype(y.dtype))
    return Ia * wa[:, None] + Ib * wb[:, None] + Ic * wc[:, None] + Id * wd[:, None]


def setup_inputs(seed: int = 0) -> dict:
    key = jax.random.key(seed)
    k1, k2, k3, k4 = jax.random.split(key, 4)
    B, N, C, H, Wg = 4, 4096, 256, 188, 188
    xy = jax.random.uniform(k1, (B, N, 2), minval=-75.0, maxval=75.0)
    z = jax.random.uniform(k2, (B, N, 1), minval=-2.0, maxval=4.0)
    keypoints = jnp.concatenate([xy, z], axis=-1).astype(jnp.float32)
    bev_features = jax.random.normal(k3, (B, C, H, Wg), dtype=jnp.float32)
    W = (jax.random.normal(k4, (128, C), dtype=jnp.float32) * 0.02)
    gamma = jnp.ones((128,), dtype=jnp.float32)
    beta = jnp.zeros((128,), dtype=jnp.float32)
    return {"keypoints": keypoints, "bev_features": bev_features, "W": W, "gamma": gamma, "beta": beta}


def reference(keypoints, bev_features, W, gamma, beta):
    # interpolate_from_bev_features (FEATURES_SOURCE=['bev']) followed by
    # vsa_point_feature_fusion = Linear(c_in, 128, bias=False) + BatchNorm1d + ReLU
    B, N, _ = keypoints.shape
    x_idxs = (keypoints[:, :, 0] - PC_RANGE[0]) / VOXEL_SIZE[0] / BEV_STRIDE
    y_idxs = (keypoints[:, :, 1] - PC_RANGE[1]) / VOXEL_SIZE[1] / BEV_STRIDE
    feats = []
    for k in range(B):
        im = jnp.transpose(bev_features[k], (1, 2, 0))  # (H, W, C)
        feats.append(bilinear_interpolate(im, x_idxs[k], y_idxs[k]))
    point_bev = jnp.stack(feats, axis=0).reshape(B * N, -1)
    h = point_bev @ W.T
    mean = jnp.mean(h, axis=0)
    var = jnp.var(h, axis=0)
    hn = (h - mean) / jnp.sqrt(var + 1e-5) * gamma + beta
    return jax.nn.relu(hn)

if __name__ == "__main__":
    import jax
    _d = setup_inputs()
    print(jax.jit(kernel)(*tuple(_d.values())))

</pallas_src>

<mosaic_0001>
#map = affine_map<(d0, d1) -> (0, 0)>
#map1 = affine_map<(d0, d1) -> (0)>
module attributes {stable_mosaic.version = 14 : i64} {
  func.func @k(%arg0: i32, %arg1: i32, %arg2: memref<70688x128xf32, #tpu.memory_space<hbm>>, %arg3: memref<32768xi32, #tpu.memory_space<hbm>>, %arg4: memref<32768x128xf32, #tpu.memory_space<hbm>>, %arg5: memref<128xi32, #tpu.memory_space<vmem>>, %arg6: memref<128x128xf32, #tpu.memory_space<vmem>>, %arg7: memref<!tpu.dma_semaphore, #tpu.memory_space<semaphore_mem>>) attributes {dimension_semantics = [#tpu.dimension_semantics<core_parallel>, #tpu.dimension_semantics<subcore_parallel>], iteration_bounds = array<i64: 2, 16>, scalar_prefetch = 0 : i64, scratch_operands = 3 : i64, tpu.core_type = #tpu.core_type<sc_vector_subcore>, window_params = [{transform_indices = #map}, {transform_indices = #map1}, {transform_indices = #map}]} {
    %mul3A = arith.constant 2 : i32
    %mul3A_0 = arith.muli %arg1, %mul3A : i32
    %add3A = arith.addi %mul3A_0, %arg0 : i32
    %mul3A_1 = arith.constant 1024 : i32
    %mul3A_2 = arith.muli %add3A, %mul3A_1 : i32
    %multiple_of3A = tpu.assume_multiple %mul3A_2, 128 : i32
    %add3A_3 = arith.constant 0 : i32
    %add3A_4 = arith.addi %multiple_of3A, %add3A_3 : i32
    %multiple_of3A_5 = tpu.assume_multiple %add3A_4, 128 : i32
    "tpu.region"() ({
      %run_scoped3A = tpu.sem_alloc : memref<!tpu.dma_semaphore, #tpu.memory_space<semaphore_mem>>
      %dma_start3A_73 = tpu.memref_slice %arg3[%multiple_of3A_5] : memref<32768xi32, #tpu.memory_space<hbm>> -> memref<128xi32, #tpu.memory_space<hbm>>
      %dma_start3A_74 = tpu.memref_slice %arg3[%multiple_of3A_5] : memref<32768xi32, #tpu.memory_space<hbm>> -> memref<128xi32, #tpu.memory_space<hbm>>
      tpu.enqueue_dma source(%dma_start3A_74 : memref<128xi32, #tpu.memory_space<hbm>>) target(%arg5 : memref<128xi32, #tpu.memory_space<vmem>>) target_semaphore(%run_scoped3A : memref<!tpu.dma_semaphore, #tpu.memory_space<semaphore_mem>>)
      %dma_wait3A_75 = tpu.memref_slice %arg3[%multiple_of3A_5] : memref<32768xi32, #tpu.memory_space<hbm>> -> memref<128xi32, #tpu.memory_space<hbm>>
      %dma_wait3A_76 = tpu.memref_slice %arg3[%multiple_of3A_5] : memref<32768xi32, #tpu.memory_space<hbm>> -> memref<128xi32, #tpu.memory_space<hbm>>
      tpu.wait_dma2 semaphore(%run_scoped3A : memref<!tpu.dma_semaphore, #tpu.memory_space<semaphore_mem>>) src(%dma_wait3A_76 : memref<128xi32, #tpu.memory_space<hbm>>) dst(%arg5 : memref<128xi32, #tpu.memory_space<vmem>>)
      tpu.yield
    }) : () -> ()
    %dma_start3A = arith.constant 0 : i32
    %dma_start3A_6 = arith.constant 0 : i32
    %dma_start3A_7 = tpu.memref_slice %arg2[%dma_start3A, %dma_start3A_6] : memref<70688x128xf32, #tpu.memory_space<hbm>> -> memref<70688x128xf32, #tpu.memory_space<hbm>>
    tpu.enqueue_indirect_dma source(%dma_start3A_7 : memref<70688x128xf32, #tpu.memory_space<hbm>>) target(%arg6 : memref<128x128xf32, #tpu.memory_space<vmem>>) offsets(%arg5 : memref<128xi32, #tpu.memory_space<vmem>>) semaphore(%arg7 : memref<!tpu.dma_semaphore, #tpu.memory_space<semaphore_mem>>)
    %dma_wait3A = arith.constant 0 : i32
    %dma_wait3A_8 = arith.constant 0 : i32
    %dma_wait3A_9 = tpu.memref_slice %arg2[%dma_wait3A, %dma_wait3A_8] : memref<70688x128xf32, #tpu.memory_space<hbm>> -> memref<70688x128xf32, #tpu.memory_space<hbm>>
    tpu.wait_indirect_dma semaphore(%arg7 : memref<!tpu.dma_semaphore, #tpu.memory_space<semaphore_mem>>) src(%dma_wait3A_9 : memref<70688x128xf32, #tpu.memory_space<hbm>>) dst(%arg6 : memref<128x128xf32, #tpu.memory_space<vmem>>)
    "tpu.region"() ({
      %run_scoped3A = tpu.sem_alloc : memref<!tpu.dma_semaphore, #tpu.memory_space<semaphore_mem>>
      %dma_start3A_73 = arith.constant 0 : i32
      %dma_start3A_74 = tpu.memref_slice %arg4[%multiple_of3A_5, %dma_start3A_73] : memref<32768x128xf32, #tpu.memory_space<hbm>> -> memref<128x128xf32, #tpu.memory_space<hbm>>
      %dma_start3A_75 = arith.constant 0 : i32
      %dma_start3A_76 = tpu.memref_slice %arg4[%multiple_of3A_5, %dma_start3A_75] : memref<32768x128xf32, #tpu.memory_space<hbm>> -> memref<128x128xf32, #tpu.memory_space<hbm>>
      tpu.enqueue_dma source(%arg6 : memref<128x128xf32, #tpu.memory_space<vmem>>) target(%dma_start3A_76 : memref<128x128xf32, #tpu.memory_space<hbm>>) target_semaphore(%run_scoped3A : memref<!tpu.dma_semaphore, #tpu.memory_space<semaphore_mem>>)
      %dma_wait3A_77 = arith.constant 0 : i32
      %dma_wait3A_78 = tpu.memref_slice %arg4[%multiple_of3A_5, %dma_wait3A_77] : memref<32768x128xf32, #tpu.memory_space<hbm>> -> memref<128x128xf32, #tpu.memory_space<hbm>>
      %dma_wait3A_79 = arith.constant 0 : i32
      %dma_wait3A_80 = tpu.memref_slice %arg4[%multiple_of3A_5, %dma_wait3A_79] : memref<32768x128xf32, #tpu.memory_space<hbm>> -> memref<128x128xf32, #tpu.memory_space<hbm>>
      tpu.wait_dma2 semaphore(%run_scoped3A : memref<!tpu.dma_semaphore, #tpu.memory_space<semaphore_mem>>) src(%arg6 : memref<128x128xf32, #tpu.memory_space<vmem>>) dst(%dma_wait3A_80 : memref<128x128xf32, #tpu.memory_space<hbm>>)
      tpu.yield
    }) : () -> ()
    %add3A_10 = arith.constant 128 : i32
    %add3A_11 = arith.addi %multiple_of3A, %add3A_10 : i32
    %multiple_of3A_12 = tpu.assume_multiple %add3A_11, 128 : i32
    "tpu.region"() ({
      %run_scoped3A = tpu.sem_alloc : memref<!tpu.dma_semaphore, #tpu.memory_space<semaphore_mem>>
      %dma_start3A_73 = tpu.memref_slice %arg3[%multiple_of3A_12] : memref<32768xi32, #tpu.memory_space<hbm>> -> memref<128xi32, #tpu.memory_space<hbm>>
      %dma_start3A_74 = tpu.memref_slice %arg3[%multiple_of3A_12] : memref<32768xi32, #tpu.memory_space<hbm>> -> memref<128xi32, #tpu.memory_space<hbm>>
      tpu.enqueue_dma source(%dma_start3A_74 : memref<128xi32, #tpu.memory_space<hbm>>) target(%arg5 : memref<128xi32, #tpu.memory_space<vmem>>) target_semaphore(%run_scoped3A : memref<!tpu.dma_semaphore, #tpu.memory_space<semaphore_mem>>)
      %dma_wait3A_75 = tpu.memref_slice %arg3[%multiple_of3A_12] : memref<32768xi32, #tpu.memory_space<hbm>> -> memref<128xi32, #tpu.memory_space<hbm>>
      %dma_wait3A_76 = tpu.memref_slice %arg3[%multiple_of3A_12] : memref<32768xi32, #tpu.memory_space<hbm>> -> memref<128xi32, #tpu.memory_space<hbm>>
      tpu.wait_dma2 semaphore(%run_scoped3A : memref<!tpu.dma_semaphore, #tpu.memory_space<semaphore_mem>>) src(%dma_wait3A_76 : memref<128xi32, #tpu.memory_space<hbm>>) dst(%arg5 : memref<128xi32, #tpu.memory_space<vmem>>)
      tpu.yield
    }) : () -> ()
    %dma_start3A_13 = arith.constant 0 : i32
    %dma_start3A_14 = arith.constant 0 : i32
    %dma_start3A_15 = tpu.memref_slice %arg2[%dma_start3A_13, %dma_start3A_14] : memref<70688x128xf32, #tpu.memory_space<hbm>> -> memref<70688x128xf32, #tpu.memory_space<hbm>>
    tpu.enqueue_indirect_dma source(%dma_start3A_15 : memref<70688x128xf32, #tpu.memory_space<hbm>>) target(%arg6 : memref<128x128xf32, #tpu.memory_space<vmem>>) offsets(%arg5 : memref<128xi32, #tpu.memory_space<vmem>>) semaphore(%arg7 : memref<!tpu.dma_semaphore, #tpu.memory_space<semaphore_mem>>)
    %dma_wait3A_16 = arith.constant 0 : i32
    %dma_wait3A_17 = arith.constant 0 : i32
    %dma_wait3A_18 = tpu.memref_slice %arg2[%dma_wait3A_16, %dma_wait3A_17] : memref<70688x128xf32, #tpu.memory_space<hbm>> -> memref<70688x128xf32, #tpu.memory_space<hbm>>
    tpu.wait_indirect_dma semaphore(%arg7 : memref<!tpu.dma_semaphore, #tpu.memory_space<semaphore_mem>>) src(%dma_wait3A_18 : memref<70688x128xf32, #tpu.memory_space<hbm>>) dst(%arg6 : memref<128x128xf32, #tpu.memory_space<vmem>>)
    "tpu.region"() ({
      %run_scoped3A = tpu.sem_alloc : memref<!tpu.dma_semaphore, #tpu.memory_space<semaphore_mem>>
      %dma_start3A_73 = arith.constant 0 : i32
      %dma_start3A_74 = tpu.memref_slice %arg4[%multiple_of3A_12, %dma_start3A_73] : memref<32768x128xf32, #tpu.memory_space<hbm>> -> memref<128x128xf32, #tpu.memory_space<hbm>>
      %dma_start3A_75 = arith.constant 0 : i32
      %dma_start3A_76 = tpu.memref_slice %arg4[%multiple_of3A_12, %dma_start3A_75] : memref<32768x128xf32, #tpu.memory_space<hbm>> -> memref<128x128xf32, #tpu.memory_space<hbm>>
      tpu.enqueue_dma source(%arg6 : memref<128x128xf32, #tpu.memory_space<vmem>>) target(%dma_start3A_76 : memref<128x128xf32, #tpu.memory_space<hbm>>) target_semaphore(%run_scoped3A : memref<!tpu.dma_semaphore, #tpu.memory_space<semaphore_mem>>)
      %dma_wait3A_77 = arith.constant 0 : i32
      %dma_wait3A_78 = tpu.memref_slice %arg4[%multiple_of3A_12, %dma_wait3A_77] : memref<32768x128xf32, #tpu.memory_space<hbm>> -> memref<128x128xf32, #tpu.memory_space<hbm>>
      %dma_wait3A_79 = arith.constant 0 : i32
      %dma_wait3A_80 = tpu.memref_slice %arg4[%multiple_of3A_12, %dma_wait3A_79] : memref<32768x128xf32, #tpu.memory_space<hbm>> -> memref<128x128xf32, #tpu.memory_space<hbm>>
      tpu.wait_dma2 semaphore(%run_scoped3A : memref<!tpu.dma_semaphore, #tpu.memory_space<semaphore_mem>>) src(%arg6 : memref<128x128xf32, #tpu.memory_space<vmem>>) dst(%dma_wait3A_80 : memref<128x128xf32, #tpu.memory_space<hbm>>)
      tpu.yield
    }) : () -> ()
    %add3A_19 = arith.constant 256 : i32
    %add3A_20 = arith.addi %multiple_of3A, %add3A_19 : i32
    %multiple_of3A_21 = tpu.assume_multiple %add3A_20, 128 : i32
    "tpu.region"() ({
      %run_scoped3A = tpu.sem_alloc : memref<!tpu.dma_semaphore, #tpu.memory_space<semaphore_mem>>
      %dma_start3A_73 = tpu.memref_slice %arg3[%multiple_of3A_21] : memref<32768xi32, #tpu.memory_space<hbm>> -> memref<128xi32, #tpu.memory_space<hbm>>
      %dma_start3A_74 = tpu.memref_slice %arg3[%multiple_of3A_21] : memref<32768xi32, #tpu.memory_space<hbm>> -> memref<128xi32, #tpu.memory_space<hbm>>
      tpu.enqueue_dma source(%dma_start3A_74 : memref<128xi32, #tpu.memory_space<hbm>>) target(%arg5 : memref<128xi32, #tpu.memory_space<vmem>>) target_semaphore(%run_scoped3A : memref<!tpu.dma_semaphore, #tpu.memory_space<semaphore_mem>>)
      %dma_wait3A_75 = tpu.memref_slice %arg3[%multiple_of3A_21] : memref<32768xi32, #tpu.memory_space<hbm>> -> memref<128xi32, #tpu.memory_space<hbm>>
      %dma_wait3A_76 = tpu.memref_slice %arg3[%multiple_of3A_21] : memref<32768xi32, #tpu.memory_space<hbm>> -> memref<128xi32, #tpu.memory_space<hbm>>
      tpu.wait_dma2 semaphore(%run_scoped3A : memref<!tpu.dma_semaphore, #tpu.memory_space<semaphore_mem>>) src(%dma_wait3A_76 : memref<128xi32, #tpu.memory_space<hbm>>) dst(%arg5 : memref<128xi32, #tpu.memory_space<vmem>>)
      tpu.yield
    }) : () -> ()
    %dma_start3A_22 = arith.constant 0 : i32
    %dma_start3A_23 = arith.constant 0 : i32
    %dma_start3A_24 = tpu.memref_slice %arg2[%dma_start3A_22, %dma_start3A_23] : memref<70688x128xf32, #tpu.memory_space<hbm>> -> memref<70688x128xf32, #tpu.memory_space<hbm>>
    tpu.enqueue_indirect_dma source(%dma_start3A_24 : memref<70688x128xf32, #tpu.memory_space<hbm>>) target(%arg6 : memref<128x128xf32, #tpu.memory_space<vmem>>) offsets(%arg5 : memref<128xi32, #tpu.memory_space<vmem>>) semaphore(%arg7 : memref<!tpu.dma_semaphore, #tpu.memory_space<semaphore_mem>>)
    %dma_wait3A_25 = arith.constant 0 : i32
    %dma_wait3A_26 = arith.constant 0 : i32
    %dma_wait3A_27 = tpu.memref_slice %arg2[%dma_wait3A_25, %dma_wait3A_26] : memref<70688x128xf32, #tpu.memory_space<hbm>> -> memref<70688x128xf32, #tpu.memory_space<hbm>>
    tpu.wait_indirect_dma semaphore(%arg7 : memref<!tpu.dma_semaphore, #tpu.memory_space<semaphore_mem>>) src(%dma_wait3A_27 : memref<70688x128xf32, #tpu.memory_space<hbm>>) dst(%arg6 : memref<128x128xf32, #tpu.memory_space<vmem>>)
    "tpu.region"() ({
      %run_scoped3A = tpu.sem_alloc : memref<!tpu.dma_semaphore, #tpu.memory_space<semaphore_mem>>
      %dma_start3A_73 = arith.constant 0 : i32
      %dma_start3A_74 = tpu.memref_slice %arg4[%multiple_of3A_21, %dma_start3A_73] : memref<32768x128xf32, #tpu.memory_space<hbm>> -> memref<128x128xf32, #tpu.memory_space<hbm>>
      %dma_start3A_75 = arith.constant 0 : i32
      %dma_start3A_76 = tpu.memref_slice %arg4[%multiple_of3A_21, %dma_start3A_75] : memref<32768x128xf32, #tpu.memory_space<hbm>> -> memref<128x128xf32, #tpu.memory_space<hbm>>
      tpu.enqueue_dma source(%arg6 : memref<128x128xf32, #tpu.memory_space<vmem>>) target(%dma_start3A_76 : memref<128x128xf32, #tpu.memory_space<hbm>>) target_semaphore(%run_scoped3A : memref<!tpu.dma_semaphore, #tpu.memory_space<semaphore_mem>>)
      %dma_wait3A_77 = arith.constant 0 : i32
      %dma_wait3A_78 = tpu.memref_slice %arg4[%multiple_of3A_21, %dma_wait3A_77] : memref<32768x128xf32, #tpu.memory_space<hbm>> -> memref<128x128xf32, #tpu.memory_space<hbm>>
      %dma_wait3A_79 = arith.constant 0 : i32
      %dma_wait3A_80 = tpu.memref_slice %arg4[%multiple_of3A_21, %dma_wait3A_79] : memref<32768x128xf32, #tpu.memory_space<hbm>> -> memref<128x128xf32, #tpu.memory_space<hbm>>
      tpu.wait_dma2 semaphore(%run_scoped3A : memref<!tpu.dma_semaphore, #tpu.memory_space<semaphore_mem>>) src(%arg6 : memref<128x128xf32, #tpu.memory_space<vmem>>) dst(%dma_wait3A_80 : memref<128x128xf32, #tpu.memory_space<hbm>>)
      tpu.yield
    }) : () -> ()
    %add3A_28 = arith.constant 384 : i32
    %add3A_29 = arith.addi %multiple_of3A, %add3A_28 : i32
    %multiple_of3A_30 = tpu.assume_multiple %add3A_29, 128 : i32
    "tpu.region"() ({
      %run_scoped3A = tpu.sem_alloc : memref<!tpu.dma_semaphore, #tpu.memory_space<semaphore_mem>>
      %dma_start3A_73 = tpu.memref_slice %arg3[%multiple_of3A_30] : memref<32768xi32, #tpu.memory_space<hbm>> -> memref<128xi32, #tpu.memory_space<hbm>>
      %dma_start3A_74 = tpu.memref_slice %arg3[%multiple_of3A_30] : memref<32768xi32, #tpu.memory_space<hbm>> -> memref<128xi32, #tpu.memory_space<hbm>>
      tpu.enqueue_dma source(%dma_start3A_74 : memref<128xi32, #tpu.memory_space<hbm>>) target(%arg5 : memref<128xi32, #tpu.memory_space<vmem>>) target_semaphore(%run_scoped3A : memref<!tpu.dma_semaphore, #tpu.memory_space<semaphore_mem>>)
      %dma_wait3A_75 = tpu.memref_slice %arg3[%multiple_of3A_30] : memref<32768xi32, #tpu.memory_space<hbm>> -> memref<128xi32, #tpu.memory_space<hbm>>
      %dma_wait3A_76 = tpu.memref_slice %arg3[%multiple_of3A_30] : memref<32768xi32, #tpu.memory_space<hbm>> -> memref<128xi32, #tpu.memory_space<hbm>>
      tpu.wait_dma2 semaphore(%run_scoped3A : memref<!tpu.dma_semaphore, #tpu.memory_space<semaphore_mem>>) src(%dma_wait3A_76 : memref<128xi32, #tpu.memory_space<hbm>>) dst(%arg5 : memref<128xi32, #tpu.memory_space<vmem>>)
      tpu.yield
    }) : () -> ()
    %dma_start3A_31 = arith.constant 0 : i32
    %dma_start3A_32 = arith.constant 0 : i32
    %dma_start3A_33 = tpu.memref_slice %arg2[%dma_start3A_31, %dma_start3A_32] : memref<70688x128xf32, #tpu.memory_space<hbm>> -> memref<70688x128xf32, #tpu.memory_space<hbm>>
    tpu.enqueue_indirect_dma source(%dma_start3A_33 : memref<70688x128xf32, #tpu.memory_space<hbm>>) target(%arg6 : memref<128x128xf32, #tpu.memory_space<vmem>>) offsets(%arg5 : memref<128xi32, #tpu.memory_space<vmem>>) semaphore(%arg7 : memref<!tpu.dma_semaphore, #tpu.memory_space<semaphore_mem>>)
    %dma_wait3A_34 = arith.constant 0 : i32
    %dma_wait3A_35 = arith.constant 0 : i32
    %dma_wait3A_36 = tpu.memref_slice %arg2[%dma_wait3A_34, %dma_wait3A_35] : memref<70688x128xf32, #tpu.memory_space<hbm>> -> memref<70688x128xf32, #tpu.memory_space<hbm>>
    tpu.wait_indirect_dma semaphore(%arg7 : memref<!tpu.dma_semaphore, #tpu.memory_space<semaphore_mem>>) src(%dma_wait3A_36 : memref<70688x128xf32, #tpu.memory_space<hbm>>) dst(%arg6 : memref<128x128xf32, #tpu.memory_space<vmem>>)
    "tpu.region"() ({
      %run_scoped3A = tpu.sem_alloc : memref<!tpu.dma_semaphore, #tpu.memory_space<semaphore_mem>>
      %dma_start3A_73 = arith.constant 0 : i32
      %dma_start3A_74 = tpu.memref_slice %arg4[%multiple_of3A_30, %dma_start3A_73] : memref<32768x128xf32, #tpu.memory_space<hbm>> -> memref<128x128xf32, #tpu.memory_space<hbm>>
      %dma_start3A_75 = arith.constant 0 : i32
      %dma_start3A_76 = tpu.memref_slice %arg4[%multiple_of3A_30, %dma_start3A_75] : memref<32768x128xf32, #tpu.memory_space<hbm>> -> memref<128x128xf32, #tpu.memory_space<hbm>>
      tpu.enqueue_dma source(%arg6 : memref<128x128xf32, #tpu.memory_space<vmem>>) target(%dma_start3A_76 : memref<128x128xf32, #tpu.memory_space<hbm>>) target_semaphore(%run_scoped3A : memref<!tpu.dma_semaphore, #tpu.memory_space<semaphore_mem>>)
      %dma_wait3A_77 = arith.constant 0 : i32
      %dma_wait3A_78 = tpu.memref_slice %arg4[%multiple_of3A_30, %dma_wait3A_77] : memref<32768x128xf32, #tpu.memory_space<hbm>> -> memref<128x128xf32, #tpu.memory_space<hbm>>
      %dma_wait3A_79 = arith.constant 0 : i32
      %dma_wait3A_80 = tpu.memref_slice %arg4[%multiple_of3A_30, %dma_wait3A_79] : memref<32768x128xf32, #tpu.memory_space<hbm>> -> memref<128x128xf32, #tpu.memory_space<hbm>>
      tpu.wait_dma2 semaphore(%run_scoped3A : memref<!tpu.dma_semaphore, #tpu.memory_space<semaphore_mem>>) src(%arg6 : memref<128x128xf32, #tpu.memory_space<vmem>>) dst(%dma_wait3A_80 : memref<128x128xf32, #tpu.memory_space<hbm>>)
      tpu.yield
    }) : () -> ()
    %add3A_37 = arith.constant 512 : i32
    %add3A_38 = arith.addi %multiple_of3A, %add3A_37 : i32
    %multiple_of3A_39 = tpu.assume_multiple %add3A_38, 128 : i32
    "tpu.region"() ({
      %run_scoped3A = tpu.sem_alloc : memref<!tpu.dma_semaphore, #tpu.memory_space<semaphore_mem>>
      %dma_start3A_73 = tpu.memref_slice %arg3[%multiple_of3A_39] : memref<32768xi32, #tpu.memory_space<hbm>> -> memref<128xi32, #tpu.memory_space<hbm>>
      %dma_start3A_74 = tpu.memref_slice %arg3[%multiple_of3A_39] : memref<32768xi32, #tpu.memory_space<hbm>> -> memref<128xi32, #tpu.memory_space<hbm>>
      tpu.enqueue_dma source(%dma_start3A_74 : memref<128xi32, #tpu.memory_space<hbm>>) target(%arg5 : memref<128xi32, #tpu.memory_space<vmem>>) target_semaphore(%run_scoped3A : memref<!tpu.dma_semaphore, #tpu.memory_space<semaphore_mem>>)
      %dma_wait3A_75 = tpu.memref_slice %arg3[%multiple_of3A_39] : memref<32768xi32, #tpu.memory_space<hbm>> -> memref<128xi32, #tpu.memory_space<hbm>>
      %dma_wait3A_76 = tpu.memref_slice %arg3[%multiple_of3A_39] : memref<32768xi32, #tpu.memory_space<hbm>> -> memref<128xi32, #tpu.memory_space<hbm>>
      tpu.wait_dma2 semaphore(%run_scoped3A : memref<!tpu.dma_semaphore, #tpu.memory_space<semaphore_mem>>) src(%dma_wait3A_76 : memref<128xi32, #tpu.memory_space<hbm>>) dst(%arg5 : memref<128xi32, #tpu.memory_space<vmem>>)
      tpu.yield
    }) : () -> ()
    %dma_start3A_40 = arith.constant 0 : i32
    %dma_start3A_41 = arith.constant 0 : i32
    %dma_start3A_42 = tpu.memref_slice %arg2[%dma_start3A_40, %dma_start3A_41] : memref<70688x128xf32, #tpu.memory_space<hbm>> -> memref<70688x128xf32, #tpu.memory_space<hbm>>
    tpu.enqueue_indirect_dma source(%dma_start3A_42 : memref<70688x128xf32, #tpu.memory_space<hbm>>) target(%arg6 : memref<128x128xf32, #tpu.memory_space<vmem>>) offsets(%arg5 : memref<128xi32, #tpu.memory_space<vmem>>) semaphore(%arg7 : memref<!tpu.dma_semaphore, #tpu.memory_space<semaphore_mem>>)
    %dma_wait3A_43 = arith.constant 0 : i32
    %dma_wait3A_44 = arith.constant 0 : i32
    %dma_wait3A_45 = tpu.memref_slice %arg2[%dma_wait3A_43, %dma_wait3A_44] : memref<70688x128xf32, #tpu.memory_space<hbm>> -> memref<70688x128xf32, #tpu.memory_space<hbm>>
    tpu.wait_indirect_dma semaphore(%arg7 : memref<!tpu.dma_semaphore, #tpu.memory_space<semaphore_mem>>) src(%dma_wait3A_45 : memref<70688x128xf32, #tpu.memory_space<hbm>>) dst(%arg6 : memref<128x128xf32, #tpu.memory_space<vmem>>)
    "tpu.region"() ({
      %run_scoped3A = tpu.sem_alloc : memref<!tpu.dma_semaphore, #tpu.memory_space<semaphore_mem>>
      %dma_start3A_73 = arith.constant 0 : i32
      %dma_start3A_74 = tpu.memref_slice %arg4[%multiple_of3A_39, %dma_start3A_73] : memref<32768x128xf32, #tpu.memory_space<hbm>> -> memref<128x128xf32, #tpu.memory_space<hbm>>
      %dma_start3A_75 = arith.constant 0 : i32
      %dma_start3A_76 = tpu.memref_slice %arg4[%multiple_of3A_39, %dma_start3A_75] : memref<32768x128xf32, #tpu.memory_space<hbm>> -> memref<128x128xf32, #tpu.memory_space<hbm>>
      tpu.enqueue_dma source(%arg6 : memref<128x128xf32, #tpu.memory_space<vmem>>) target(%dma_start3A_76 : memref<128x128xf32, #tpu.memory_space<hbm>>) target_semaphore(%run_scoped3A : memref<!tpu.dma_semaphore, #tpu.memory_space<semaphore_mem>>)
      %dma_wait3A_77 = arith.constant 0 : i32
      %dma_wait3A_78 = tpu.memref_slice %arg4[%multiple_of3A_39, %dma_wait3A_77] : memref<32768x128xf32, #tpu.memory_space<hbm>> -> memref<128x128xf32, #tpu.memory_space<hbm>>
      %dma_wait3A_79 = arith.constant 0 : i32
      %dma_wait3A_80 = tpu.memref_slice %arg4[%multiple_of3A_39, %dma_wait3A_79] : memref<32768x128xf32, #tpu.memory_space<hbm>> -> memref<128x128xf32, #tpu.memory_space<hbm>>
      tpu.wait_dma2 semaphore(%run_scoped3A : memref<!tpu.dma_semaphore, #tpu.memory_space<semaphore_mem>>) src(%arg6 : memref<128x128xf32, #tpu.memory_space<vmem>>) dst(%dma_wait3A_80 : memref<128x128xf32, #tpu.memory_space<hbm>>)
      tpu.yield
    }) : () -> ()
    %add3A_46 = arith.constant 640 : i32
    %add3A_47 = arith.addi %multiple_of3A, %add3A_46 : i32
    %multiple_of3A_48 = tpu.assume_multiple %add3A_47, 128 : i32
    "tpu.region"() ({
      %run_scoped3A = tpu.sem_alloc : memref<!tpu.dma_semaphore, #tpu.memory_space<semaphore_mem>>
      %dma_start3A_73 = tpu.memref_slice %arg3[%multiple_of3A_48] : memref<32768xi32, #tpu.memory_space<hbm>> -> memref<128xi32, #tpu.memory_space<hbm>>
      %dma_start3A_74 = tpu.memref_slice %arg3[%multiple_of3A_48] : memref<32768xi32, #tpu.memory_space<hbm>> -> memref<128xi32, #tpu.memory_space<hbm>>
      tpu.enqueue_dma source(%dma_start3A_74 : memref<128xi32, #tpu.memory_space<hbm>>) target(%arg5 : memref<128xi32, #tpu.memory_space<vmem>>) target_semaphore(%run_scoped3A : memref<!tpu.dma_semaphore, #tpu.memory_space<semaphore_mem>>)
      %dma_wait3A_75 = tpu.memref_slice %arg3[%multiple_of3A_48] : memref<32768xi32, #tpu.memory_space<hbm>> -> memref<128xi32, #tpu.memory_space<hbm>>
      %dma_wait3A_76 = tpu.memref_slice %arg3[%multiple_of3A_48] : memref<32768xi32, #tpu.memory_space<hbm>> -> memref<128xi32, #tpu.memory_space<hbm>>
      tpu.wait_dma2 semaphore(%run_scoped3A : memref<!tpu.dma_semaphore, #tpu.memory_space<semaphore_mem>>) src(%dma_wait3A_76 : memref<128xi32, #tpu.memory_space<hbm>>) dst(%arg5 : memref<128xi32, #tpu.memory_space<vmem>>)
      tpu.yield
    }) : () -> ()
    %dma_start3A_49 = arith.constant 0 : i32
    %dma_start3A_50 = arith.constant 0 : i32
    %dma_start3A_51 = tpu.memref_slice %arg2[%dma_start3A_49, %dma_start3A_50] : memref<70688x128xf32, #tpu.memory_space<hbm>> -> memref<70688x128xf32, #tpu.memory_space<hbm>>
    tpu.enqueue_indirect_dma source(%dma_start3A_51 : memref<70688x128xf32, #tpu.memory_space<hbm>>) target(%arg6 : memref<128x128xf32, #tpu.memory_space<vmem>>) offsets(%arg5 : memref<128xi32, #tpu.memory_space<vmem>>) semaphore(%arg7 : memref<!tpu.dma_semaphore, #tpu.memory_space<semaphore_mem>>)
    %dma_wait3A_52 = arith.constant 0 : i32
    %dma_wait3A_53 = arith.constant 0 : i32
    %dma_wait3A_54 = tpu.memref_slice %arg2[%dma_wait3A_52, %dma_wait3A_53] : memref<70688x128xf32, #tpu.memory_space<hbm>> -> memref<70688x128xf32, #tpu.memory_space<hbm>>
    tpu.wait_indirect_dma semaphore(%arg7 : memref<!tpu.dma_semaphore, #tpu.memory_space<semaphore_mem>>) src(%dma_wait3A_54 : memref<70688x128xf32, #tpu.memory_space<hbm>>) dst(%arg6 : memref<128x128xf32, #tpu.memory_space<vmem>>)
    "tpu.region"() ({
      %run_scoped3A = tpu.sem_alloc : memref<!tpu.dma_semaphore, #tpu.memory_space<semaphore_mem>>
      %dma_start3A_73 = arith.constant 0 : i32
      %dma_start3A_74 = tpu.memref_slice %arg4[%multiple_of3A_48, %dma_start3A_73] : memref<32768x128xf32, #tpu.memory_space<hbm>> -> memref<128x128xf32, #tpu.memory_space<hbm>>
      %dma_start3A_75 = arith.constant 0 : i32
      %dma_start3A_76 = tpu.memref_slice %arg4[%multiple_of3A_48, %dma_start3A_75] : memref<32768x128xf32, #tpu.memory_space<hbm>> -> memref<128x128xf32, #tpu.memory_space<hbm>>
      tpu.enqueue_dma source(%arg6 : memref<128x128xf32, #tpu.memory_space<vmem>>) target(%dma_start3A_76 : memref<128x128xf32, #tpu.memory_space<hbm>>) target_semaphore(%run_scoped3A : memref<!tpu.dma_semaphore, #tpu.memory_space<semaphore_mem>>)
      %dma_wait3A_77 = arith.constant 0 : i32
      %dma_wait3A_78 = tpu.memref_slice %arg4[%multiple_of3A_48, %dma_wait3A_77] : memref<32768x128xf32, #tpu.memory_space<hbm>> -> memref<128x128xf32, #tpu.memory_space<hbm>>
      %dma_wait3A_79 = arith.constant 0 : i32
      %dma_wait3A_80 = tpu.memref_slice %arg4[%multiple_of3A_48, %dma_wait3A_79] : memref<32768x128xf32, #tpu.memory_space<hbm>> -> memref<128x128xf32, #tpu.memory_space<hbm>>
      tpu.wait_dma2 semaphore(%run_scoped3A : memref<!tpu.dma_semaphore, #tpu.memory_space<semaphore_mem>>) src(%arg6 : memref<128x128xf32, #tpu.memory_space<vmem>>) dst(%dma_wait3A_80 : memref<128x128xf32, #tpu.memory_space<hbm>>)
      tpu.yield
    }) : () -> ()
    %add3A_55 = arith.constant 768 : i32
    %add3A_56 = arith.addi %multiple_of3A, %add3A_55 : i32
    %multiple_of3A_57 = tpu.assume_multiple %add3A_56, 128 : i32
    "tpu.region"() ({
      %run_scoped3A = tpu.sem_alloc : memref<!tpu.dma_semaphore, #tpu.memory_space<semaphore_mem>>
      %dma_start3A_73 = tpu.memref_slice %arg3[%multiple_of3A_57] : memref<32768xi32, #tpu.memory_space<hbm>> -> memref<128xi32, #tpu.memory_space<hbm>>
      %dma_start3A_74 = tpu.memref_slice %arg3[%multiple_of3A_57] : memref<32768xi32, #tpu.memory_space<hbm>> -> memref<128xi32, #tpu.memory_space<hbm>>
      tpu.enqueue_dma source(%dma_start3A_74 : memref<128xi32, #tpu.memory_space<hbm>>) target(%arg5 : memref<128xi32, #tpu.memory_space<vmem>>) target_semaphore(%run_scoped3A : memref<!tpu.dma_semaphore, #tpu.memory_space<semaphore_mem>>)
      %dma_wait3A_75 = tpu.memref_slice %arg3[%multiple_of3A_57] : memref<32768xi32, #tpu.memory_space<hbm>> -> memref<128xi32, #tpu.memory_space<hbm>>
      %dma_wait3A_76 = tpu.memref_slice %arg3[%multiple_of3A_57] : memref<32768xi32, #tpu.memory_space<hbm>> -> memref<128xi32, #tpu.memory_space<hbm>>
      tpu.wait_dma2 semaphore(%run_scoped3A : memref<!tpu.dma_semaphore, #tpu.memory_space<semaphore_mem>>) src(%dma_wait3A_76 : memref<128xi32, #tpu.memory_space<hbm>>) dst(%arg5 : memref<128xi32, #tpu.memory_space<vmem>>)
      tpu.yield
    }) : () -> ()
    %dma_start3A_58 = arith.constant 0 : i32
    %dma_start3A_59 = arith.constant 0 : i32
    %dma_start3A_60 = tpu.memref_slice %arg2[%dma_start3A_58, %dma_start3A_59] : memref<70688x128xf32, #tpu.memory_space<hbm>> -> memref<70688x128xf32, #tpu.memory_space<hbm>>
    tpu.enqueue_indirect_dma source(%dma_start3A_60 : memref<70688x128xf32, #tpu.memory_space<hbm>>) target(%arg6 : memref<128x128xf32, #tpu.memory_space<vmem>>) offsets(%arg5 : memref<128xi32, #tpu.memory_space<vmem>>) semaphore(%arg7 : memref<!tpu.dma_semaphore, #tpu.memory_space<semaphore_mem>>)
    %dma_wait3A_61 = arith.constant 0 : i32
    %dma_wait3A_62 = arith.constant 0 : i32
    %dma_wait3A_63 = tpu.memref_slice %arg2[%dma_wait3A_61, %dma_wait3A_62] : memref<70688x128xf32, #tpu.memory_space<hbm>> -> memref<70688x128xf32, #tpu.memory_space<hbm>>
    tpu.wait_indirect_dma semaphore(%arg7 : memref<!tpu.dma_semaphore, #tpu.memory_space<semaphore_mem>>) src(%dma_wait3A_63 : memref<70688x128xf32, #tpu.memory_space<hbm>>) dst(%arg6 : memref<128x128xf32, #tpu.memory_space<vmem>>)
    "tpu.region"() ({
      %run_scoped3A = tpu.sem_alloc : memref<!tpu.dma_semaphore, #tpu.memory_space<semaphore_mem>>
      %dma_start3A_73 = arith.constant 0 : i32
      %dma_start3A_74 = tpu.memref_slice %arg4[%multiple_of3A_57, %dma_start3A_73] : memref<32768x128xf32, #tpu.memory_space<hbm>> -> memref<128x128xf32, #tpu.memory_space<hbm>>
      %dma_start3A_75 = arith.constant 0 : i32
      %dma_start3A_76 = tpu.memref_slice %arg4[%multiple_of3A_57, %dma_start3A_75] : memref<32768x128xf32, #tpu.memory_space<hbm>> -> memref<128x128xf32, #tpu.memory_space<hbm>>
      tpu.enqueue_dma source(%arg6 : memref<128x128xf32, #tpu.memory_space<vmem>>) target(%dma_start3A_76 : memref<128x128xf32, #tpu.memory_space<hbm>>) target_semaphore(%run_scoped3A : memref<!tpu.dma_semaphore, #tpu.memory_space<semaphore_mem>>)
      %dma_wait3A_77 = arith.constant 0 : i32
      %dma_wait3A_78 = tpu.memref_slice %arg4[%multiple_of3A_57, %dma_wait3A_77] : memref<32768x128xf32, #tpu.memory_space<hbm>> -> memref<128x128xf32, #tpu.memory_space<hbm>>
      %dma_wait3A_79 = arith.constant 0 : i32
      %dma_wait3A_80 = tpu.memref_slice %arg4[%multiple_of3A_57, %dma_wait3A_79] : memref<32768x128xf32, #tpu.memory_space<hbm>> -> memref<128x128xf32, #tpu.memory_space<hbm>>
      tpu.wait_dma2 semaphore(%run_scoped3A : memref<!tpu.dma_semaphore, #tpu.memory_space<semaphore_mem>>) src(%arg6 : memref<128x128xf32, #tpu.memory_space<vmem>>) dst(%dma_wait3A_80 : memref<128x128xf32, #tpu.memory_space<hbm>>)
      tpu.yield
    }) : () -> ()
    %add3A_64 = arith.constant 896 : i32
    %add3A_65 = arith.addi %multiple_of3A, %add3A_64 : i32
    %multiple_of3A_66 = tpu.assume_multiple %add3A_65, 128 : i32
    "tpu.region"() ({
      %run_scoped3A = tpu.sem_alloc : memref<!tpu.dma_semaphore, #tpu.memory_space<semaphore_mem>>
      %dma_start3A_73 = tpu.memref_slice %arg3[%multiple_of3A_66] : memref<32768xi32, #tpu.memory_space<hbm>> -> memref<128xi32, #tpu.memory_space<hbm>>
      %dma_start3A_74 = tpu.memref_slice %arg3[%multiple_of3A_66] : memref<32768xi32, #tpu.memory_space<hbm>> -> memref<128xi32, #tpu.memory_space<hbm>>
      tpu.enqueue_dma source(%dma_start3A_74 : memref<128xi32, #tpu.memory_space<hbm>>) target(%arg5 : memref<128xi32, #tpu.memory_space<vmem>>) target_semaphore(%run_scoped3A : memref<!tpu.dma_semaphore, #tpu.memory_space<semaphore_mem>>)
      %dma_wait3A_75 = tpu.memref_slice %arg3[%multiple_of3A_66] : memref<32768xi32, #tpu.memory_space<hbm>> -> memref<128xi32, #tpu.memory_space<hbm>>
      %dma_wait3A_76 = tpu.memref_slice %arg3[%multiple_of3A_66] : memref<32768xi32, #tpu.memory_space<hbm>> -> memref<128xi32, #tpu.memory_space<hbm>>
      tpu.wait_dma2 semaphore(%run_scoped3A : memref<!tpu.dma_semaphore, #tpu.memory_space<semaphore_mem>>) src(%dma_wait3A_76 : memref<128xi32, #tpu.memory_space<hbm>>) dst(%arg5 : memref<128xi32, #tpu.memory_space<vmem>>)
      tpu.yield
    }) : () -> ()
    %dma_start3A_67 = arith.constant 0 : i32
    %dma_start3A_68 = arith.constant 0 : i32
    %dma_start3A_69 = tpu.memref_slice %arg2[%dma_start3A_67, %dma_start3A_68] : memref<70688x128xf32, #tpu.memory_space<hbm>> -> memref<70688x128xf32, #tpu.memory_space<hbm>>
    tpu.enqueue_indirect_dma source(%dma_start3A_69 : memref<70688x128xf32, #tpu.memory_space<hbm>>) target(%arg6 : memref<128x128xf32, #tpu.memory_space<vmem>>) offsets(%arg5 : memref<128xi32, #tpu.memory_space<vmem>>) semaphore(%arg7 : memref<!tpu.dma_semaphore, #tpu.memory_space<semaphore_mem>>)
    %dma_wait3A_70 = arith.constant 0 : i32
    %dma_wait3A_71 = arith.constant 0 : i32
    %dma_wait3A_72 = tpu.memref_slice %arg2[%dma_wait3A_70, %dma_wait3A_71] : memref<70688x128xf32, #tpu.memory_space<hbm>> -> memref<70688x128xf32, #tpu.memory_space<hbm>>
    tpu.wait_indirect_dma semaphore(%arg7 : memref<!tpu.dma_semaphore, #tpu.memory_space<semaphore_mem>>) src(%dma_wait3A_72 : memref<70688x128xf32, #tpu.memory_space<hbm>>) dst(%arg6 : memref<128x128xf32, #tpu.memory_space<vmem>>)
    "tpu.region"() ({
      %run_scoped3A = tpu.sem_alloc : memref<!tpu.dma_semaphore, #tpu.memory_space<semaphore_mem>>
      %dma_start3A_73 = arith.constant 0 : i32
      %dma_start3A_74 = tpu.memref_slice %arg4[%multiple_of3A_66, %dma_start3A_73] : memref<32768x128xf32, #tpu.memory_space<hbm>> -> memref<128x128xf32, #tpu.memory_space<hbm>>
      %dma_start3A_75 = arith.constant 0 : i32
      %dma_start3A_76 = tpu.memref_slice %arg4[%multiple_of3A_66, %dma_start3A_75] : memref<32768x128xf32, #tpu.memory_space<hbm>> -> memref<128x128xf32, #tpu.memory_space<hbm>>
      tpu.enqueue_dma source(%arg6 : memref<128x128xf32, #tpu.memory_space<vmem>>) target(%dma_start3A_76 : memref<128x128xf32, #tpu.memory_space<hbm>>) target_semaphore(%run_scoped3A : memref<!tpu.dma_semaphore, #tpu.memory_space<semaphore_mem>>)
      %dma_wait3A_77 = arith.constant 0 : i32
      %dma_wait3A_78 = tpu.memref_slice %arg4[%multiple_of3A_66, %dma_wait3A_77] : memref<32768x128xf32, #tpu.memory_space<hbm>> -> memref<128x128xf32, #tpu.memory_space<hbm>>
      %dma_wait3A_79 = arith.constant 0 : i32
      %dma_wait3A_80 = tpu.memref_slice %arg4[%multiple_of3A_66, %dma_wait3A_79] : memref<32768x128xf32, #tpu.memory_space<hbm>> -> memref<128x128xf32, #tpu.memory_space<hbm>>
      tpu.wait_dma2 semaphore(%run_scoped3A : memref<!tpu.dma_semaphore, #tpu.memory_space<semaphore_mem>>) src(%arg6 : memref<128x128xf32, #tpu.memory_space<vmem>>) dst(%dma_wait3A_80 : memref<128x128xf32, #tpu.memory_space<hbm>>)
      tpu.yield
    }) : () -> ()
    return
  }
}

#map = affine_map<(d0, d1) -> (0, 0)>
#map1 = affine_map<(d0, d1) -> (0)>
module attributes {stable_mosaic.version = 14 : i64} {
  func.func @k(%arg0: i32, %arg1: i32, %arg2: memref<70688x128xf32, #tpu.memory_space<hbm>>, %arg3: memref<32768xi32, #tpu.memory_space<hbm>>, %arg4: memref<32768x128xf32, #tpu.memory_space<hbm>>, %arg5: memref<128xi32, #tpu.memory_space<vmem>>, %arg6: memref<128x128xf32, #tpu.memory_space<vmem>>, %arg7: memref<!tpu.dma_semaphore, #tpu.memory_space<semaphore_mem>>) attributes {dimension_semantics = [#tpu.dimension_semantics<core_parallel>, #tpu.dimension_semantics<subcore_parallel>], iteration_bounds = array<i64: 2, 16>, scalar_prefetch = 0 : i64, scratch_operands = 3 : i64, tpu.core_type = #tpu.core_type<sc_vector_subcore>, window_params = [{transform_indices = #map}, {transform_indices = #map1}, {transform_indices = #map}]} {
    %mul3A = arith.constant 2 : i32
    %mul3A_0 = arith.muli %arg1, %mul3A : i32
    %add3A = arith.addi %mul3A_0, %arg0 : i32
    %mul3A_1 = arith.constant 1024 : i32
    %mul3A_2 = arith.muli %add3A, %mul3A_1 : i32
    %multiple_of3A = tpu.assume_multiple %mul3A_2, 128 : i32
    %add3A_3 = arith.constant 0 : i32
    %add3A_4 = arith.addi %multiple_of3A, %add3A_3 : i32
    %multiple_of3A_5 = tpu.assume_multiple %add3A_4, 128 : i32
    "tpu.region"() ({
      %run_scoped3A = tpu.sem_alloc : memref<!tpu.dma_semaphore, #tpu.memory_space<semaphore_mem>>
      %dma_start3A_73 = tpu.memref_slice %arg3[%multiple_of3A_5] : memref<32768xi32, #tpu.memory_space<hbm>> -> memref<128xi32, #tpu.memory_space<hbm>>
      %dma_start3A_74 = tpu.memref_slice %arg3[%multiple_of3A_5] : memref<32768xi32, #tpu.memory_space<hbm>> -> memref<128xi32, #tpu.memory_space<hbm>>
      tpu.enqueue_dma source(%dma_start3A_74 : memref<128xi32, #tpu.memory_space<hbm>>) target(%arg5 : memref<128xi32, #tpu.memory_space<vmem>>) target_semaphore(%run_scoped3A : memref<!tpu.dma_semaphore, #tpu.memory_space<semaphore_mem>>)
      %dma_wait3A_75 = tpu.memref_slice %arg3[%multiple_of3A_5] : memref<32768xi32, #tpu.memory_space<hbm>> -> memref<128xi32, #tpu.memory_space<hbm>>
      %dma_wait3A_76 = tpu.memref_slice %arg3[%multiple_of3A_5] : memref<32768xi32, #tpu.memory_space<hbm>> -> memref<128xi32, #tpu.memory_space<hbm>>
      tpu.wait_dma2 semaphore(%run_scoped3A : memref<!tpu.dma_semaphore, #tpu.memory_space<semaphore_mem>>) src(%dma_wait3A_76 : memref<128xi32, #tpu.memory_space<hbm>>) dst(%arg5 : memref<128xi32, #tpu.memory_space<vmem>>)
      tpu.yield
    }) : () -> ()
    %dma_start3A = arith.constant 0 : i32
    %dma_start3A_6 = arith.constant 0 : i32
    %dma_start3A_7 = tpu.memref_slice %arg2[%dma_start3A, %dma_start3A_6] : memref<70688x128xf32, #tpu.memory_space<hbm>> -> memref<70688x128xf32, #tpu.memory_space<hbm>>
    tpu.enqueue_indirect_dma source(%dma_start3A_7 : memref<70688x128xf32, #tpu.memory_space<hbm>>) target(%arg6 : memref<128x128xf32, #tpu.memory_space<vmem>>) offsets(%arg5 : memref<128xi32, #tpu.memory_space<vmem>>) semaphore(%arg7 : memref<!tpu.dma_semaphore, #tpu.memory_space<semaphore_mem>>)
    %dma_wait3A = arith.constant 0 : i32
    %dma_wait3A_8 = arith.constant 0 : i32
    %dma_wait3A_9 = tpu.memref_slice %arg2[%dma_wait3A, %dma_wait3A_8] : memref<70688x128xf32, #tpu.memory_space<hbm>> -> memref<70688x128xf32, #tpu.memory_space<hbm>>
    tpu.wait_indirect_dma semaphore(%arg7 : memref<!tpu.dma_semaphore, #tpu.memory_space<semaphore_mem>>) src(%dma_wait3A_9 : memref<70688x128xf32, #tpu.memory_space<hbm>>) dst(%arg6 : memref<128x128xf32, #tpu.memory_space<vmem>>)
    "tpu.region"() ({
      %run_scoped3A = tpu.sem_alloc : memref<!tpu.dma_semaphore, #tpu.memory_space<semaphore_mem>>
      %dma_start3A_73 = arith.constant 0 : i32
      %dma_start3A_74 = tpu.memref_slice %arg4[%multiple_of3A_5, %dma_start3A_73] : memref<32768x128xf32, #tpu.memory_space<hbm>> -> memref<128x128xf32, #tpu.memory_space<hbm>>
      %dma_start3A_75 = arith.constant 0 : i32
      %dma_start3A_76 = tpu.memref_slice %arg4[%multiple_of3A_5, %dma_start3A_75] : memref<32768x128xf32, #tpu.memory_space<hbm>> -> memref<128x128xf32, #tpu.memory_space<hbm>>
      tpu.enqueue_dma source(%arg6 : memref<128x128xf32, #tpu.memory_space<vmem>>) target(%dma_start3A_76 : memref<128x128xf32, #tpu.memory_space<hbm>>) target_semaphore(%run_scoped3A : memref<!tpu.dma_semaphore, #tpu.memory_space<semaphore_mem>>)
      %dma_wait3A_77 = arith.constant 0 : i32
      %dma_wait3A_78 = tpu.memref_slice %arg4[%multiple_of3A_5, %dma_wait3A_77] : memref<32768x128xf32, #tpu.memory_space<hbm>> -> memref<128x128xf32, #tpu.memory_space<hbm>>
      %dma_wait3A_79 = arith.constant 0 : i32
      %dma_wait3A_80 = tpu.memref_slice %arg4[%multiple_of3A_5, %dma_wait3A_79] : memref<32768x128xf32, #tpu.memory_space<hbm>> -> memref<128x128xf32, #tpu.memory_space<hbm>>
      tpu.wait_dma2 semaphore(%run_scoped3A : memref<!tpu.dma_semaphore, #tpu.memory_space<semaphore_mem>>) src(%arg6 : memref<128x128xf32, #tpu.memory_space<vmem>>) dst(%dma_wait3A_80 : memref<128x128xf32, #tpu.memory_space<hbm>>)
      tpu.yield
    }) : () -> ()
    %add3A_10 = arith.constant 128 : i32
    %add3A_11 = arith.addi %multiple_of3A, %add3A_10 : i32
    %multiple_of3A_12 = tpu.assume_multiple %add3A_11, 128 : i32
    "tpu.region"() ({
      %run_scoped3A = tpu.sem_alloc : memref<!tpu.dma_semaphore, #tpu.memory_space<semaphore_mem>>
      %dma_start3A_73 = tpu.memref_slice %arg3[%multiple_of3A_12] : memref<32768xi32, #tpu.memory_space<hbm>> -> memref<128xi32, #tpu.memory_space<hbm>>
      %dma_start3A_74 = tpu.memref_slice %arg3[%multiple_of3A_12] : memref<32768xi32, #tpu.memory_space<hbm>> -> memref<128xi32, #tpu.memory_space<hbm>>
      tpu.enqueue_dma source(%dma_start3A_74 : memref<128xi32, #tpu.memory_space<hbm>>) target(%arg5 : memref<128xi32, #tpu.memory_space<vmem>>) target_semaphore(%run_scoped3A : memref<!tpu.dma_semaphore, #tpu.memory_space<semaphore_mem>>)
      %dma_wait3A_75 = tpu.memref_slice %arg3[%multiple_of3A_12] : memref<32768xi32, #tpu.memory_space<hbm>> -> memref<128xi32, #tpu.memory_space<hbm>>
      %dma_wait3A_76 = tpu.memref_slice %arg3[%multiple_of3A_12] : memref<32768xi32, #tpu.memory_space<hbm>> -> memref<128xi32, #tpu.memory_space<hbm>>
      tpu.wait_dma2 semaphore(%run_scoped3A : memref<!tpu.dma_semaphore, #tpu.memory_space<semaphore_mem>>) src(%dma_wait3A_76 : memref<128xi32, #tpu.memory_space<hbm>>) dst(%arg5 : memref<128xi32, #tpu.memory_space<vmem>>)
      tpu.yield
    }) : () -> ()
    %dma_start3A_13 = arith.constant 0 : i32
    %dma_start3A_14 = arith.constant 0 : i32
    %dma_start3A_15 = tpu.memref_slice %arg2[%dma_start3A_13, %dma_start3A_14] : memref<70688x128xf32, #tpu.memory_space<hbm>> -> memref<70688x128xf32, #tpu.memory_space<hbm>>
    tpu.enqueue_indirect_dma source(%dma_start3A_15 : memref<70688x128xf32, #tpu.memory_space<hbm>>) target(%arg6 : memref<128x128xf32, #tpu.memory_space<vmem>>) offsets(%arg5 : memref<128xi32, #tpu.memory_space<vmem>>) semaphore(%arg7 : memref<!tpu.dma_semaphore, #tpu.memory_space<semaphore_mem>>)
    %dma_wait3A_16 = arith.constant 0 : i32
    %dma_wait3A_17 = arith.constant 0 : i32
    %dma_wait3A_18 = tpu.memref_slice %arg2[%dma_wait3A_16, %dma_wait3A_17] : memref<70688x128xf32, #tpu.memory_space<hbm>> -> memref<70688x128xf32, #tpu.memory_space<hbm>>
    tpu.wait_indirect_dma semaphore(%arg7 : memref<!tpu.dma_semaphore, #tpu.memory_space<semaphore_mem>>) src(%dma_wait3A_18 : memref<70688x128xf32, #tpu.memory_space<hbm>>) dst(%arg6 : memref<128x128xf32, #tpu.memory_space<vmem>>)
    "tpu.region"() ({
      %run_scoped3A = tpu.sem_alloc : memref<!tpu.dma_semaphore, #tpu.memory_space<semaphore_mem>>
      %dma_start3A_73 = arith.constant 0 : i32
      %dma_start3A_74 = tpu.memref_slice %arg4[%multiple_of3A_12, %dma_start3A_73] : memref<32768x128xf32, #tpu.memory_space<hbm>> -> memref<128x128xf32, #tpu.memory_space<hbm>>
      %dma_start3A_75 = arith.constant 0 : i32
      %dma_start3A_76 = tpu.memref_slice %arg4[%multiple_of3A_12, %dma_start3A_75] : memref<32768x128xf32, #tpu.memory_space<hbm>> -> memref<128x128xf32, #tpu.memory_space<hbm>>
      tpu.enqueue_dma source(%arg6 : memref<128x128xf32, #tpu.memory_space<vmem>>) target(%dma_start3A_76 : memref<128x128xf32, #tpu.memory_space<hbm>>) target_semaphore(%run_scoped3A : memref<!tpu.dma_semaphore, #tpu.memory_space<semaphore_mem>>)
      %dma_wait3A_77 = arith.constant 0 : i32
      %dma_wait3A_78 = tpu.memref_slice %arg4[%multiple_of3A_12, %dma_wait3A_77] : memref<32768x128xf32, #tpu.memory_space<hbm>> -> memref<128x128xf32, #tpu.memory_space<hbm>>
      %dma_wait3A_79 = arith.constant 0 : i32
      %dma_wait3A_80 = tpu.memref_slice %arg4[%multiple_of3A_12, %dma_wait3A_79] : memref<32768x128xf32, #tpu.memory_space<hbm>> -> memref<128x128xf32, #tpu.memory_space<hbm>>
      tpu.wait_dma2 semaphore(%run_scoped3A : memref<!tpu.dma_semaphore, #tpu.memory_space<semaphore_mem>>) src(%arg6 : memref<128x128xf32, #tpu.memory_space<vmem>>) dst(%dma_wait3A_80 : memref<128x128xf32, #tpu.memory_space<hbm>>)
      tpu.yield
    }) : () -> ()
    %add3A_19 = arith.constant 256 : i32
    %add3A_20 = arith.addi %multiple_of3A, %add3A_19 : i32
    %multiple_of3A_21 = tpu.assume_multiple %add3A_20, 128 : i32
    "tpu.region"() ({
      %run_scoped3A = tpu.sem_alloc : memref<!tpu.dma_semaphore, #tpu.memory_space<semaphore_mem>>
      %dma_start3A_73 = tpu.memref_slice %arg3[%multiple_of3A_21] : memref<32768xi32, #tpu.memory_space<hbm>> -> memref<128xi32, #tpu.memory_space<hbm>>
      %dma_start3A_74 = tpu.memref_slice %arg3[%multiple_of3A_21] : memref<32768xi32, #tpu.memory_space<hbm>> -> memref<128xi32, #tpu.memory_space<hbm>>
      tpu.enqueue_dma source(%dma_start3A_74 : memref<128xi32, #tpu.memory_space<hbm>>) target(%arg5 : memref<128xi32, #tpu.memory_space<vmem>>) target_semaphore(%run_scoped3A : memref<!tpu.dma_semaphore, #tpu.memory_space<semaphore_mem>>)
      %dma_wait3A_75 = tpu.memref_slice %arg3[%multiple_of3A_21] : memref<32768xi32, #tpu.memory_space<hbm>> -> memref<128xi32, #tpu.memory_space<hbm>>
      %dma_wait3A_76 = tpu.memref_slice %arg3[%multiple_of3A_21] : memref<32768xi32, #tpu.memory_space<hbm>> -> memref<128xi32, #tpu.memory_space<hbm>>
      tpu.wait_dma2 semaphore(%run_scoped3A : memref<!tpu.dma_semaphore, #tpu.memory_space<semaphore_mem>>) src(%dma_wait3A_76 : memref<128xi32, #tpu.memory_space<hbm>>) dst(%arg5 : memref<128xi32, #tpu.memory_space<vmem>>)
      tpu.yield
    }) : () -> ()
    %dma_start3A_22 = arith.constant 0 : i32
    %dma_start3A_23 = arith.constant 0 : i32
    %dma_start3A_24 = tpu.memref_slice %arg2[%dma_start3A_22, %dma_start3A_23] : memref<70688x128xf32, #tpu.memory_space<hbm>> -> memref<70688x128xf32, #tpu.memory_space<hbm>>
    tpu.enqueue_indirect_dma source(%dma_start3A_24 : memref<70688x128xf32, #tpu.memory_space<hbm>>) target(%arg6 : memref<128x128xf32, #tpu.memory_space<vmem>>) offsets(%arg5 : memref<128xi32, #tpu.memory_space<vmem>>) semaphore(%arg7 : memref<!tpu.dma_semaphore, #tpu.memory_space<semaphore_mem>>)
    %dma_wait3A_25 = arith.constant 0 : i32
    %dma_wait3A_26 = arith.constant 0 : i32
    %dma_wait3A_27 = tpu.memref_slice %arg2[%dma_wait3A_25, %dma_wait3A_26] : memref<70688x128xf32, #tpu.memory_space<hbm>> -> memref<70688x128xf32, #tpu.memory_space<hbm>>
    tpu.wait_indirect_dma semaphore(%arg7 : memref<!tpu.dma_semaphore, #tpu.memory_space<semaphore_mem>>) src(%dma_wait3A_27 : memref<70688x128xf32, #tpu.memory_space<hbm>>) dst(%arg6 : memref<128x128xf32, #tpu.memory_space<vmem>>)
    "tpu.region"() ({
      %run_scoped3A = tpu.sem_alloc : memref<!tpu.dma_semaphore, #tpu.memory_space<semaphore_mem>>
      %dma_start3A_73 = arith.constant 0 : i32
      %dma_start3A_74 = tpu.memref_slice %arg4[%multiple_of3A_21, %dma_start3A_73] : memref<32768x128xf32, #tpu.memory_space<hbm>> -> memref<128x128xf32, #tpu.memory_space<hbm>>
      %dma_start3A_75 = arith.constant 0 : i32
      %dma_start3A_76 = tpu.memref_slice %arg4[%multiple_of3A_21, %dma_start3A_75] : memref<32768x128xf32, #tpu.memory_space<hbm>> -> memref<128x128xf32, #tpu.memory_space<hbm>>
      tpu.enqueue_dma source(%arg6 : memref<128x128xf32, #tpu.memory_space<vmem>>) target(%dma_start3A_76 : memref<128x128xf32, #tpu.memory_space<hbm>>) target_semaphore(%run_scoped3A : memref<!tpu.dma_semaphore, #tpu.memory_space<semaphore_mem>>)
      %dma_wait3A_77 = arith.constant 0 : i32
      %dma_wait3A_78 = tpu.memref_slice %arg4[%multiple_of3A_21, %dma_wait3A_77] : memref<32768x128xf32, #tpu.memory_space<hbm>> -> memref<128x128xf32, #tpu.memory_space<hbm>>
      %dma_wait3A_79 = arith.constant 0 : i32
      %dma_wait3A_80 = tpu.memref_slice %arg4[%multiple_of3A_21, %dma_wait3A_79] : memref<32768x128xf32, #tpu.memory_space<hbm>> -> memref<128x128xf32, #tpu.memory_space<hbm>>
      tpu.wait_dma2 semaphore(%run_scoped3A : memref<!tpu.dma_semaphore, #tpu.memory_space<semaphore_mem>>) src(%arg6 : memref<128x128xf32, #tpu.memory_space<vmem>>) dst(%dma_wait3A_80 : memref<128x128xf32, #tpu.memory_space<hbm>>)
      tpu.yield
    }) : () -> ()
    %add3A_28 = arith.constant 384 : i32
    %add3A_29 = arith.addi %multiple_of3A, %add3A_28 : i32
    %multiple_of3A_30 = tpu.assume_multiple %add3A_29, 128 : i32
    "tpu.region"() ({
      %run_scoped3A = tpu.sem_alloc : memref<!tpu.dma_semaphore, #tpu.memory_space<semaphore_mem>>
      %dma_start3A_73 = tpu.memref_slice %arg3[%multiple_of3A_30] : memref<32768xi32, #tpu.memory_space<hbm>> -> memref<128xi32, #tpu.memory_space<hbm>>
      %dma_start3A_74 = tpu.memref_slice %arg3[%multiple_of3A_30] : memref<32768xi32, #tpu.memory_space<hbm>> -> memref<128xi32, #tpu.memory_space<hbm>>
      tpu.enqueue_dma source(%dma_start3A_74 : memref<128xi32, #tpu.memory_space<hbm>>) target(%arg5 : memref<128xi32, #tpu.memory_space<vmem>>) target_semaphore(%run_scoped3A : memref<!tpu.dma_semaphore, #tpu.memory_space<semaphore_mem>>)
      %dma_wait3A_75 = tpu.memref_slice %arg3[%multiple_of3A_30] : memref<32768xi32, #tpu.memory_space<hbm>> -> memref<128xi32, #tpu.memory_space<hbm>>
      %dma_wait3A_76 = tpu.memref_slice %arg3[%multiple_of3A_30] : memref<32768xi32, #tpu.memory_space<hbm>> -> memref<128xi32, #tpu.memory_space<hbm>>
      tpu.wait_dma2 semaphore(%run_scoped3A : memref<!tpu.dma_semaphore, #tpu.memory_space<semaphore_mem>>) src(%dma_wait3A_76 : memref<128xi32, #tpu.memory_space<hbm>>) dst(%arg5 : memref<128xi32, #tpu.memory_space<vmem>>)
      tpu.yield
    }) : () -> ()
    %dma_start3A_31 = arith.constant 0 : i32
    %dma_start3A_32 = arith.constant 0 : i32
    %dma_start3A_33 = tpu.memref_slice %arg2[%dma_start3A_31, %dma_start3A_32] : memref<70688x128xf32, #tpu.memory_space<hbm>> -> memref<70688x128xf32, #tpu.memory_space<hbm>>
    tpu.enqueue_indirect_dma source(%dma_start3A_33 : memref<70688x128xf32, #tpu.memory_space<hbm>>) target(%arg6 : memref<128x128xf32, #tpu.memory_space<vmem>>) offsets(%arg5 : memref<128xi32, #tpu.memory_space<vmem>>) semaphore(%arg7 : memref<!tpu.dma_semaphore, #tpu.memory_space<semaphore_mem>>)
    %dma_wait3A_34 = arith.constant 0 : i32
    %dma_wait3A_35 = arith.constant 0 : i32
    %dma_wait3A_36 = tpu.memref_slice %arg2[%dma_wait3A_34, %dma_wait3A_35] : memref<70688x128xf32, #tpu.memory_space<hbm>> -> memref<70688x128xf32, #tpu.memory_space<hbm>>
    tpu.wait_indirect_dma semaphore(%arg7 : memref<!tpu.dma_semaphore, #tpu.memory_space<semaphore_mem>>) src(%dma_wait3A_36 : memref<70688x128xf32, #tpu.memory_space<hbm>>) dst(%arg6 : memref<128x128xf32, #tpu.memory_space<vmem>>)
    "tpu.region"() ({
      %run_scoped3A = tpu.sem_alloc : memref<!tpu.dma_semaphore, #tpu.memory_space<semaphore_mem>>
      %dma_start3A_73 = arith.constant 0 : i32
      %dma_start3A_74 = tpu.memref_slice %arg4[%multiple_of3A_30, %dma_start3A_73] : memref<32768x128xf32, #tpu.memory_space<hbm>> -> memref<128x128xf32, #tpu.memory_space<hbm>>
      %dma_start3A_75 = arith.constant 0 : i32
      %dma_start3A_76 = tpu.memref_slice %arg4[%multiple_of3A_30, %dma_start3A_75] : memref<32768x128xf32, #tpu.memory_space<hbm>> -> memref<128x128xf32, #tpu.memory_space<hbm>>
      tpu.enqueue_dma source(%arg6 : memref<128x128xf32, #tpu.memory_space<vmem>>) target(%dma_start3A_76 : memref<128x128xf32, #tpu.memory_space<hbm>>) target_semaphore(%run_scoped3A : memref<!tpu.dma_semaphore, #tpu.memory_space<semaphore_mem>>)
      %dma_wait3A_77 = arith.constant 0 : i32
      %dma_wait3A_78 = tpu.memref_slice %arg4[%multiple_of3A_30, %dma_wait3A_77] : memref<32768x128xf32, #tpu.memory_space<hbm>> -> memref<128x128xf32, #tpu.memory_space<hbm>>
      %dma_wait3A_79 = arith.constant 0 : i32
      %dma_wait3A_80 = tpu.memref_slice %arg4[%multiple_of3A_30, %dma_wait3A_79] : memref<32768x128xf32, #tpu.memory_space<hbm>> -> memref<128x128xf32, #tpu.memory_space<hbm>>
      tpu.wait_dma2 semaphore(%run_scoped3A : memref<!tpu.dma_semaphore, #tpu.memory_space<semaphore_mem>>) src(%arg6 : memref<128x128xf32, #tpu.memory_space<vmem>>) dst(%dma_wait3A_80 : memref<128x128xf32, #tpu.memory_space<hbm>>)
      tpu.yield
    }) : () -> ()
    %add3A_37 = arith.constant 512 : i32
    %add3A_38 = arith.addi %multiple_of3A, %add3A_37 : i32
    %multiple_of3A_39 = tpu.assume_multiple %add3A_38, 128 : i32
    "tpu.region"() ({
      %run_scoped3A = tpu.sem_alloc : memref<!tpu.dma_semaphore, #tpu.memory_space<semaphore_mem>>
      %dma_start3A_73 = tpu.memref_slice %arg3[%multiple_of3A_39] : memref<32768xi32, #tpu.memory_space<hbm>> -> memref<128xi32, #tpu.memory_space<hbm>>
      %dma_start3A_74 = tpu.memref_slice %arg3[%multiple_of3A_39] : memref<32768xi32, #tpu.memory_space<hbm>> -> memref<128xi32, #tpu.memory_space<hbm>>
      tpu.enqueue_dma source(%dma_start3A_74 : memref<128xi32, #tpu.memory_space<hbm>>) target(%arg5 : memref<128xi32, #tpu.memory_space<vmem>>) target_semaphore(%run_scoped3A : memref<!tpu.dma_semaphore, #tpu.memory_space<semaphore_mem>>)
      %dma_wait3A_75 = tpu.memref_slice %arg3[%multiple_of3A_39] : memref<32768xi32, #tpu.memory_space<hbm>> -> memref<128xi32, #tpu.memory_space<hbm>>
      %dma_wait3A_76 = tpu.memref_slice %arg3[%multiple_of3A_39] : memref<32768xi32, #tpu.memory_space<hbm>> -> memref<128xi32, #tpu.memory_space<hbm>>
      tpu.wait_dma2 semaphore(%run_scoped3A : memref<!tpu.dma_semaphore, #tpu.memory_space<semaphore_mem>>) src(%dma_wait3A_76 : memref<128xi32, #tpu.memory_space<hbm>>) dst(%arg5 : memref<128xi32, #tpu.memory_space<vmem>>)
      tpu.yield
    }) : () -> ()
    %dma_start3A_40 = arith.constant 0 : i32
    %dma_start3A_41 = arith.constant 0 : i32
    %dma_start3A_42 = tpu.memref_slice %arg2[%dma_start3A_40, %dma_start3A_41] : memref<70688x128xf32, #tpu.memory_space<hbm>> -> memref<70688x128xf32, #tpu.memory_space<hbm>>
    tpu.enqueue_indirect_dma source(%dma_start3A_42 : memref<70688x128xf32, #tpu.memory_space<hbm>>) target(%arg6 : memref<128x128xf32, #tpu.memory_space<vmem>>) offsets(%arg5 : memref<128xi32, #tpu.memory_space<vmem>>) semaphore(%arg7 : memref<!tpu.dma_semaphore, #tpu.memory_space<semaphore_mem>>)
    %dma_wait3A_43 = arith.constant 0 : i32
    %dma_wait3A_44 = arith.constant 0 : i32
    %dma_wait3A_45 = tpu.memref_slice %arg2[%dma_wait3A_43, %dma_wait3A_44] : memref<70688x128xf32, #tpu.memory_space<hbm>> -> memref<70688x128xf32, #tpu.memory_space<hbm>>
    tpu.wait_indirect_dma semaphore(%arg7 : memref<!tpu.dma_semaphore, #tpu.memory_space<semaphore_mem>>) src(%dma_wait3A_45 : memref<70688x128xf32, #tpu.memory_space<hbm>>) dst(%arg6 : memref<128x128xf32, #tpu.memory_space<vmem>>)
    "tpu.region"() ({
      %run_scoped3A = tpu.sem_alloc : memref<!tpu.dma_semaphore, #tpu.memory_space<semaphore_mem>>
      %dma_start3A_73 = arith.constant 0 : i32
      %dma_start3A_74 = tpu.memref_slice %arg4[%multiple_of3A_39, %dma_start3A_73] : memref<32768x128xf32, #tpu.memory_space<hbm>> -> memref<128x128xf32, #tpu.memory_space<hbm>>
      %dma_start3A_75 = arith.constant 0 : i32
      %dma_start3A_76 = tpu.memref_slice %arg4[%multiple_of3A_39, %dma_start3A_75] : memref<32768x128xf32, #tpu.memory_space<hbm>> -> memref<128x128xf32, #tpu.memory_space<hbm>>
      tpu.enqueue_dma source(%arg6 : memref<128x128xf32, #tpu.memory_space<vmem>>) target(%dma_start3A_76 : memref<128x128xf32, #tpu.memory_space<hbm>>) target_semaphore(%run_scoped3A : memref<!tpu.dma_semaphore, #tpu.memory_space<semaphore_mem>>)
      %dma_wait3A_77 = arith.constant 0 : i32
      %dma_wait3A_78 = tpu.memref_slice %arg4[%multiple_of3A_39, %dma_wait3A_77] : memref<32768x128xf32, #tpu.memory_space<hbm>> -> memref<128x128xf32, #tpu.memory_space<hbm>>
      %dma_wait3A_79 = arith.constant 0 : i32
      %dma_wait3A_80 = tpu.memref_slice %arg4[%multiple_of3A_39, %dma_wait3A_79] : memref<32768x128xf32, #tpu.memory_space<hbm>> -> memref<128x128xf32, #tpu.memory_space<hbm>>
      tpu.wait_dma2 semaphore(%run_scoped3A : memref<!tpu.dma_semaphore, #tpu.memory_space<semaphore_mem>>) src(%arg6 : memref<128x128xf32, #tpu.memory_space<vmem>>) dst(%dma_wait3A_80 : memref<128x128xf32, #tpu.memory_space<hbm>>)
      tpu.yield
    }) : () -> ()
    %add3A_46 = arith.constant 640 : i32
    %add3A_47 = arith.addi %multiple_of3A, %add3A_46 : i32
    %multiple_of3A_48 = tpu.assume_multiple %add3A_47, 128 : i32
    "tpu.region"() ({
      %run_scoped3A = tpu.sem_alloc : memref<!tpu.dma_semaphore, #tpu.memory_space<semaphore_mem>>
      %dma_start3A_73 = tpu.memref_slice %arg3[%multiple_of3A_48] : memref<32768xi32, #tpu.memory_space<hbm>> -> memref<128xi32, #tpu.memory_space<hbm>>
      %dma_start3A_74 = tpu.memref_slice %arg3[%multiple_of3A_48] : memref<32768xi32, #tpu.memory_space<hbm>> -> memref<128xi32, #tpu.memory_space<hbm>>
      tpu.enqueue_dma source(%dma_start3A_74 : memref<128xi32, #tpu.memory_space<hbm>>) target(%arg5 : memref<128xi32, #tpu.memory_space<vmem>>) target_semaphore(%run_scoped3A : memref<!tpu.dma_semaphore, #tpu.memory_space<semaphore_mem>>)
      %dma_wait3A_75 = tpu.memref_slice %arg3[%multiple_of3A_48] : memref<32768xi32, #tpu.memory_space<hbm>> -> memref<128xi32, #tpu.memory_space<hbm>>
      %dma_wait3A_76 = tpu.memref_slice %arg3[%multiple_of3A_48] : memref<32768xi32, #tpu.memory_space<hbm>> -> memref<128xi32, #tpu.memory_space<hbm>>
      tpu.wait_dma2 semaphore(%run_scoped3A : memref<!tpu.dma_semaphore, #tpu.memory_space<semaphore_mem>>) src(%dma_wait3A_76 : memref<128xi32, #tpu.memory_space<hbm>>) dst(%arg5 : memref<128xi32, #tpu.memory_space<vmem>>)
      tpu.yield
    }) : () -> ()
    %dma_start3A_49 = arith.constant 0 : i32
    %dma_start3A_50 = arith.constant 0 : i32
    %dma_start3A_51 = tpu.memref_slice %arg2[%dma_start3A_49, %dma_start3A_50] : memref<70688x128xf32, #tpu.memory_space<hbm>> -> memref<70688x128xf32, #tpu.memory_space<hbm>>
    tpu.enqueue_indirect_dma source(%dma_start3A_51 : memref<70688x128xf32, #tpu.memory_space<hbm>>) target(%arg6 : memref<128x128xf32, #tpu.memory_space<vmem>>) offsets(%arg5 : memref<128xi32, #tpu.memory_space<vmem>>) semaphore(%arg7 : memref<!tpu.dma_semaphore, #tpu.memory_space<semaphore_mem>>)
    %dma_wait3A_52 = arith.constant 0 : i32
    %dma_wait3A_53 = arith.constant 0 : i32
    %dma_wait3A_54 = tpu.memref_slice %arg2[%dma_wait3A_52, %dma_wait3A_53] : memref<70688x128xf32, #tpu.memory_space<hbm>> -> memref<70688x128xf32, #tpu.memory_space<hbm>>
    tpu.wait_indirect_dma semaphore(%arg7 : memref<!tpu.dma_semaphore, #tpu.memory_space<semaphore_mem>>) src(%dma_wait3A_54 : memref<70688x128xf32, #tpu.memory_space<hbm>>) dst(%arg6 : memref<128x128xf32, #tpu.memory_space<vmem>>)
    "tpu.region"() ({
      %run_scoped3A = tpu.sem_alloc : memref<!tpu.dma_semaphore, #tpu.memory_space<semaphore_mem>>
      %dma_start3A_73 = arith.constant 0 : i32
      %dma_start3A_74 = tpu.memref_slice %arg4[%multiple_of3A_48, %dma_start3A_73] : memref<32768x128xf32, #tpu.memory_space<hbm>> -> memref<128x128xf32, #tpu.memory_space<hbm>>
      %dma_start3A_75 = arith.constant 0 : i32
      %dma_start3A_76 = tpu.memref_slice %arg4[%multiple_of3A_48, %dma_start3A_75] : memref<32768x128xf32, #tpu.memory_space<hbm>> -> memref<128x128xf32, #tpu.memory_space<hbm>>
      tpu.enqueue_dma source(%arg6 : memref<128x128xf32, #tpu.memory_space<vmem>>) target(%dma_start3A_76 : memref<128x128xf32, #tpu.memory_space<hbm>>) target_semaphore(%run_scoped3A : memref<!tpu.dma_semaphore, #tpu.memory_space<semaphore_mem>>)
      %dma_wait3A_77 = arith.constant 0 : i32
      %dma_wait3A_78 = tpu.memref_slice %arg4[%multiple_of3A_48, %dma_wait3A_77] : memref<32768x128xf32, #tpu.memory_space<hbm>> -> memref<128x128xf32, #tpu.memory_space<hbm>>
      %dma_wait3A_79 = arith.constant 0 : i32
      %dma_wait3A_80 = tpu.memref_slice %arg4[%multiple_of3A_48, %dma_wait3A_79] : memref<32768x128xf32, #tpu.memory_space<hbm>> -> memref<128x128xf32, #tpu.memory_space<hbm>>
      tpu.wait_dma2 semaphore(%run_scoped3A : memref<!tpu.dma_semaphore, #tpu.memory_space<semaphore_mem>>) src(%arg6 : memref<128x128xf32, #tpu.memory_space<vmem>>) dst(%dma_wait3A_80 : memref<128x128xf32, #tpu.memory_space<hbm>>)
      tpu.yield
    }) : () -> ()
    %add3A_55 = arith.constant 768 : i32
    %add3A_56 = arith.addi %multiple_of3A, %add3A_55 : i32
    %multiple_of3A_57 = tpu.assume_multiple %add3A_56, 128 : i32
    "tpu.region"() ({
      %run_scoped3A = tpu.sem_alloc : memref<!tpu.dma_semaphore, #tpu.memory_space<semaphore_mem>>
      %dma_start3A_73 = tpu.memref_slice %arg3[%multiple_of3A_57] : memref<32768xi32, #tpu.memory_space<hbm>> -> memref<128xi32, #tpu.memory_space<hbm>>
      %dma_start3A_74 = tpu.memref_slice %arg3[%multiple_of3A_57] : memref<32768xi32, #tpu.memory_space<hbm>> -> memref<128xi32, #tpu.memory_space<hbm>>
      tpu.enqueue_dma source(%dma_start3A_74 : memref<128xi32, #tpu.memory_space<hbm>>) target(%arg5 : memref<128xi32, #tpu.memory_space<vmem>>) target_semaphore(%run_scoped3A : memref<!tpu.dma_semaphore, #tpu.memory_space<semaphore_mem>>)
      %dma_wait3A_75 = tpu.memref_slice %arg3[%multiple_of3A_57] : memref<32768xi32, #tpu.memory_space<hbm>> -> memref<128xi32, #tpu.memory_space<hbm>>
      %dma_wait3A_76 = tpu.memref_slice %arg3[%multiple_of3A_57] : memref<32768xi32, #tpu.memory_space<hbm>> -> memref<128xi32, #tpu.memory_space<hbm>>
      tpu.wait_dma2 semaphore(%run_scoped3A : memref<!tpu.dma_semaphore, #tpu.memory_space<semaphore_mem>>) src(%dma_wait3A_76 : memref<128xi32, #tpu.memory_space<hbm>>) dst(%arg5 : memref<128xi32, #tpu.memory_space<vmem>>)
      tpu.yield
    }) : () -> ()
    %dma_start3A_58 = arith.constant 0 : i32
    %dma_start3A_59 = arith.constant 0 : i32
    %dma_start3A_60 = tpu.memref_slice %arg2[%dma_start3A_58, %dma_start3A_59] : memref<70688x128xf32, #tpu.memory_space<hbm>> -> memref<70688x128xf32, #tpu.memory_space<hbm>>
    tpu.enqueue_indirect_dma source(%dma_start3A_60 : memref<70688x128xf32, #tpu.memory_space<hbm>>) target(%arg6 : memref<128x128xf32, #tpu.memory_space<vmem>>) offsets(%arg5 : memref<128xi32, #tpu.memory_space<vmem>>) semaphore(%arg7 : memref<!tpu.dma_semaphore, #tpu.memory_space<semaphore_mem>>)
    %dma_wait3A_61 = arith.constant 0 : i32
    %dma_wait3A_62 = arith.constant 0 : i32
    %dma_wait3A_63 = tpu.memref_slice %arg2[%dma_wait3A_61, %dma_wait3A_62] : memref<70688x128xf32, #tpu.memory_space<hbm>> -> memref<70688x128xf32, #tpu.memory_space<hbm>>
    tpu.wait_indirect_dma semaphore(%arg7 : memref<!tpu.dma_semaphore, #tpu.memory_space<semaphore_mem>>) src(%dma_wait3A_63 : memref<70688x128xf32, #tpu.memory_space<hbm>>) dst(%arg6 : memref<128x128xf32, #tpu.memory_space<vmem>>)
    "tpu.region"() ({
      %run_scoped3A = tpu.sem_alloc : memref<!tpu.dma_semaphore, #tpu.memory_space<semaphore_mem>>
      %dma_start3A_73 = arith.constant 0 : i32
      %dma_start3A_74 = tpu.memref_slice %arg4[%multiple_of3A_57, %dma_start3A_73] : memref<32768x128xf32, #tpu.memory_space<hbm>> -> memref<128x128xf32, #tpu.memory_space<hbm>>
      %dma_start3A_75 = arith.constant 0 : i32
      %dma_start3A_76 = tpu.memref_slice %arg4[%multiple_of3A_57, %dma_start3A_75] : memref<32768x128xf32, #tpu.memory_space<hbm>> -> memref<128x128xf32, #tpu.memory_space<hbm>>
      tpu.enqueue_dma source(%arg6 : memref<128x128xf32, #tpu.memory_space<vmem>>) target(%dma_start3A_76 : memref<128x128xf32, #tpu.memory_space<hbm>>) target_semaphore(%run_scoped3A : memref<!tpu.dma_semaphore, #tpu.memory_space<semaphore_mem>>)
      %dma_wait3A_77 = arith.constant 0 : i32
      %dma_wait3A_78 = tpu.memref_slice %arg4[%multiple_of3A_57, %dma_wait3A_77] : memref<32768x128xf32, #tpu.memory_space<hbm>> -> memref<128x128xf32, #tpu.memory_space<hbm>>
      %dma_wait3A_79 = arith.constant 0 : i32
      %dma_wait3A_80 = tpu.memref_slice %arg4[%multiple_of3A_57, %dma_wait3A_79] : memref<32768x128xf32, #tpu.memory_space<hbm>> -> memref<128x128xf32, #tpu.memory_space<hbm>>
      tpu.wait_dma2 semaphore(%run_scoped3A : memref<!tpu.dma_semaphore, #tpu.memory_space<semaphore_mem>>) src(%arg6 : memref<128x128xf32, #tpu.memory_space<vmem>>) dst(%dma_wait3A_80 : memref<128x128xf32, #tpu.memory_space<hbm>>)
      tpu.yield
    }) : () -> ()
    %add3A_64 = arith.constant 896 : i32
    %add3A_65 = arith.addi %multiple_of3A, %add3A_64 : i32
    %multiple_of3A_66 = tpu.assume_multiple %add3A_65, 128 : i32
    "tpu.region"() ({
      %run_scoped3A = tpu.sem_alloc : memref<!tpu.dma_semaphore, #tpu.memory_space<semaphore_mem>>
      %dma_start3A_73 = tpu.memref_slice %arg3[%multiple_of3A_66] : memref<32768xi32, #tpu.memory_space<hbm>> -> memref<128xi32, #tpu.memory_space<hbm>>
      %dma_start3A_74 = tpu.memref_slice %arg3[%multiple_of3A_66] : memref<32768xi32, #tpu.memory_space<hbm>> -> memref<128xi32, #tpu.memory_space<hbm>>
      tpu.enqueue_dma source(%dma_start3A_74 : memref<128xi32, #tpu.memory_space<hbm>>) target(%arg5 : memref<128xi32, #tpu.memory_space<vmem>>) target_semaphore(%run_scoped3A : memref<!tpu.dma_semaphore, #tpu.memory_space<semaphore_mem>>)
      %dma_wait3A_75 = tpu.memref_slice %arg3[%multiple_of3A_66] : memref<32768xi32, #tpu.memory_space<hbm>> -> memref<128xi32, #tpu.memory_space<hbm>>
      %dma_wait3A_76 = tpu.memref_slice %arg3[%multiple_of3A_66] : memref<32768xi32, #tpu.memory_space<hbm>> -> memref<128xi32, #tpu.memory_space<hbm>>
      tpu.wait_dma2 semaphore(%run_scoped3A : memref<!tpu.dma_semaphore, #tpu.memory_space<semaphore_mem>>) src(%dma_wait3A_76 : memref<128xi32, #tpu.memory_space<hbm>>) dst(%arg5 : memref<128xi32, #tpu.memory_space<vmem>>)
      tpu.yield
    }) : () -> ()
    %dma_start3A_67 = arith.constant 0 : i32
    %dma_start3A_68 = arith.constant 0 : i32
    %dma_start3A_69 = tpu.memref_slice %arg2[%dma_start3A_67, %dma_start3A_68] : memref<70688x128xf32, #tpu.memory_space<hbm>> -> memref<70688x128xf32, #tpu.memory_space<hbm>>
    tpu.enqueue_indirect_dma source(%dma_start3A_69 : memref<70688x128xf32, #tpu.memory_space<hbm>>) target(%arg6 : memref<128x128xf32, #tpu.memory_space<vmem>>) offsets(%arg5 : memref<128xi32, #tpu.memory_space<vmem>>) semaphore(%arg7 : memref<!tpu.dma_semaphore, #tpu.memory_space<semaphore_mem>>)
    %dma_wait3A_70 = arith.constant 0 : i32
    %dma_wait3A_71 = arith.constant 0 : i32
    %dma_wait3A_72 = tpu.memref_slice %arg2[%dma_wait3A_70, %dma_wait3A_71] : memref<70688x128xf32, #tpu.memory_space<hbm>> -> memref<70688x128xf32, #tpu.memory_space<hbm>>
    tpu.wait_indirect_dma semaphore(%arg7 : memref<!tpu.dma_semaphore, #tpu.memory_space<semaphore_mem>>) src(%dma_wait3A_72 : memref<70688x128xf32, #tpu.memory_space<hbm>>) dst(%arg6 : memref<128x128xf32, #tpu.memory_space<vmem>>)
    "tpu.region"() ({
      %run_scoped3A = tpu.sem_alloc : memref<!tpu.dma_semaphore, #tpu.memory_space<semaphore_mem>>
      %dma_start3A_73 = arith.constant 0 : i32
      %dma_start3A_74 = tpu.memref_slice %arg4[%multiple_of3A_66, %dma_start3A_73] : memref<32768x128xf32, #tpu.memory_space<hbm>> -> memref<128x128xf32, #tpu.memory_space<hbm>>
      %dma_start3A_75 = arith.constant 0 : i32
      %dma_start3A_76 = tpu.memref_slice %arg4[%multiple_of3A_66, %dma_start3A_75] : memref<32768x128xf32, #tpu.memory_space<hbm>> -> memref<128x128xf32, #tpu.memory_space<hbm>>
      tpu.enqueue_dma source(%arg6 : memref<128x128xf32, #tpu.memory_space<vmem>>) target(%dma_start3A_76 : memref<128x128xf32, #tpu.memory_space<hbm>>) target_semaphore(%run_scoped3A : memref<!tpu.dma_semaphore, #tpu.memory_space<semaphore_mem>>)
      %dma_wait3A_77 = arith.constant 0 : i32
      %dma_wait3A_78 = tpu.memref_slice %arg4[%multiple_of3A_66, %dma_wait3A_77] : memref<32768x128xf32, #tpu.memory_space<hbm>> -> memref<128x128xf32, #tpu.memory_space<hbm>>
      %dma_wait3A_79 = arith.constant 0 : i32
      %dma_wait3A_80 = tpu.memref_slice %arg4[%multiple_of3A_66, %dma_wait3A_79] : memref<32768x128xf32, #tpu.memory_space<hbm>> -> memref<128x128xf32, #tpu.memory_space<hbm>>
      tpu.wait_dma2 semaphore(%run_scoped3A : memref<!tpu.dma_semaphore, #tpu.memory_space<semaphore_mem>>) src(%arg6 : memref<128x128xf32, #tpu.memory_space<vmem>>) dst(%dma_wait3A_80 : memref<128x128xf32, #tpu.memory_space<hbm>>)
      tpu.yield
    }) : () -> ()
    return
  }
}

module attributes {stable_mosaic.version = 14 : i64} {
  func.func @_idxw_body(%arg0: memref<4x4096xf32, #tpu.memory_space<vmem>>, %arg1: memref<4x4096xf32, #tpu.memory_space<vmem>>, %arg2: memref<4x4x4096xi32, #tpu.memory_space<vmem>>, %arg3: memref<4x4x4096xf32, #tpu.memory_space<vmem>>) attributes {dimension_semantics = [], scalar_prefetch = 0 : i64, scratch_operands = 0 : i64, tpu.core_type = #tpu.core_type<tc>} {
    %get3A = arith.constant 0 : index
    %get3A_0 = arith.constant 0 : index
    %get3A_1 = vector.load %arg0[%get3A, %get3A_0] : memref<4x4096xf32, #tpu.memory_space<vmem>>, vector<4x4096xf32>
    %get3A_2 = arith.constant 0 : index
    %get3A_3 = arith.constant 0 : index
    %get3A_4 = vector.load %arg1[%get3A_2, %get3A_3] : memref<4x4096xf32, #tpu.memory_space<vmem>>, vector<4x4096xf32>
    %sub3A = arith.constant -75.1999969 : f32
    %sub3A_5 = vector.broadcast %sub3A : f32 to vector<4x4096xf32>
    %sub3A_6 = arith.subf %get3A_1, %sub3A_5 : vector<4x4096xf32>
    %div3A = arith.constant 1.000000e-01 : f32
    %div3A_7 = vector.broadcast %div3A : f32 to vector<4x4096xf32>
    %div3A_8 = arith.divf %sub3A_6, %div3A_7 : vector<4x4096xf32>
    %div3A_9 = arith.constant 8.000000e+00 : f32
    %div3A_10 = vector.broadcast %div3A_9 : f32 to vector<4x4096xf32>
    %div3A_11 = arith.divf %div3A_8, %div3A_10 : vector<4x4096xf32>
    %sub3A_12 = arith.constant -75.1999969 : f32
    %sub3A_13 = vector.broadcast %sub3A_12 : f32 to vector<4x4096xf32>
    %sub3A_14 = arith.subf %get3A_4, %sub3A_13 : vector<4x4096xf32>
    %div3A_15 = arith.constant 1.000000e-01 : f32
    %div3A_16 = vector.broadcast %div3A_15 : f32 to vector<4x4096xf32>
    %div3A_17 = arith.divf %sub3A_14, %div3A_16 : vector<4x4096xf32>
    %div3A_18 = arith.constant 8.000000e+00 : f32
    %div3A_19 = vector.broadcast %div3A_18 : f32 to vector<4x4096xf32>
    %div3A_20 = arith.divf %div3A_17, %div3A_19 : vector<4x4096xf32>
    %floor3A = math.floor %div3A_11 : vector<4x4096xf32>
    %convert_element_type3A = arith.fptosi %floor3A : vector<4x4096xf32> to vector<4x4096xi32>
    %floor3A_21 = math.floor %div3A_20 : vector<4x4096xf32>
    %convert_element_type3A_22 = arith.fptosi %floor3A_21 : vector<4x4096xf32> to vector<4x4096xi32>
    %jit3A = arith.constant 0 : i32
    %jit3A_23 = arith.constant 187 : i32
    %max3A = vector.broadcast %jit3A : i32 to vector<4x4096xi32>
    %max3A_24 = arith.maxsi %max3A, %convert_element_type3A : vector<4x4096xi32>
    %min3A = vector.broadcast %jit3A_23 : i32 to vector<4x4096xi32>
    %min3A_25 = arith.minsi %min3A, %max3A_24 : vector<4x4096xi32>
    %add3A = arith.constant 1 : i32
    %add3A_26 = vector.broadcast %add3A : i32 to vector<4x4096xi32>
    %add3A_27 = arith.addi %convert_element_type3A, %add3A_26 : vector<4x4096xi32>
    %jit3A_28 = arith.constant 0 : i32
    %jit3A_29 = arith.constant 187 : i32
    %max3A_30 = vector.broadcast %jit3A_28 : i32 to vector<4x4096xi32>
    %max3A_31 = arith.maxsi %max3A_30, %add3A_27 : vector<4x4096xi32>
    %min3A_32 = vector.broadcast %jit3A_29 : i32 to vector<4x4096xi32>
    %min3A_33 = arith.minsi %min3A_32, %max3A_31 : vector<4x4096xi32>
    %jit3A_34 = arith.constant 0 : i32
    %jit3A_35 = arith.constant 187 : i32
    %max3A_36 = vector.broadcast %jit3A_34 : i32 to vector<4x4096xi32>
    %max3A_37 = arith.maxsi %max3A_36, %convert_element_type3A_22 : vector<4x4096xi32>
    %min3A_38 = vector.broadcast %jit3A_35 : i32 to vector<4x4096xi32>
    %min3A_39 = arith.minsi %min3A_38, %max3A_37 : vector<4x4096xi32>
    %add3A_40 = arith.constant 1 : i32
    %add3A_41 = vector.broadcast %add3A_40 : i32 to vector<4x4096xi32>
    %add3A_42 = arith.addi %convert_element_type3A_22, %add3A_41 : vector<4x4096xi32>
    %jit3A_43 = arith.constant 0 : i32
    %jit3A_44 = arith.constant 187 : i32
    %max3A_45 = vector.broadcast %jit3A_43 : i32 to vector<4x4096xi32>
    %max3A_46 = arith.maxsi %max3A_45, %add3A_42 : vector<4x4096xi32>
    %min3A_47 = vector.broadcast %jit3A_44 : i32 to vector<4x4096xi32>
    %min3A_48 = arith.minsi %min3A_47, %max3A_46 : vector<4x4096xi32>
    %convert_element_type3A_49 = arith.sitofp %min3A_25 : vector<4x4096xi32> to vector<4x4096xf32>
    %convert_element_type3A_50 = arith.sitofp %min3A_33 : vector<4x4096xi32> to vector<4x4096xf32>
    %convert_element_type3A_51 = arith.sitofp %min3A_39 : vector<4x4096xi32> to vector<4x4096xf32>
    %convert_element_type3A_52 = arith.sitofp %min3A_48 : vector<4x4096xi32> to vector<4x4096xf32>
    %sub3A_53 = arith.subf %convert_element_type3A_50, %div3A_11 : vector<4x4096xf32>
    %sub3A_54 = arith.subf %convert_element_type3A_52, %div3A_20 : vector<4x4096xf32>
    %mul3A = arith.mulf %sub3A_53, %sub3A_54 : vector<4x4096xf32>
    %swap3A = arith.constant 0 : index
    %swap3A_55 = arith.constant 0 : index
    %swap3A_56 = arith.constant 0 : index
    %swap3A_57 = vector.load %arg3[%swap3A, %swap3A_55, %swap3A_56] : memref<4x4x4096xf32, #tpu.memory_space<vmem>>, vector<1x4x4096xf32>
    %swap3A_58 = vector.shape_cast %swap3A_57 : vector<1x4x4096xf32> to vector<4x4096xf32>
    %swap3A_59 = vector.shape_cast %mul3A : vector<4x4096xf32> to vector<1x4x4096xf32>
    tpu.vector_store %arg3[%swap3A, %swap3A_55, %swap3A_56], %swap3A_59 {strides = array<i32>} : memref<4x4x4096xf32, #tpu.memory_space<vmem>>, vector<1x4x4096xf32>,
    %sub3A_60 = arith.subf %convert_element_type3A_50, %div3A_11 : vector<4x4096xf32>
    %sub3A_61 = arith.subf %div3A_20, %convert_element_type3A_51 : vector<4x4096xf32>
    %mul3A_62 = arith.mulf %sub3A_60, %sub3A_61 : vector<4x4096xf32>
    %swap3A_63 = arith.constant 1 : index
    %swap3A_64 = arith.constant 0 : index
    %swap3A_65 = arith.constant 0 : index
    %swap3A_66 = vector.load %arg3[%swap3A_63, %swap3A_64, %swap3A_65] : memref<4x4x4096xf32, #tpu.memory_space<vmem>>, vector<1x4x4096xf32>
    %swap3A_67 = vector.shape_cast %swap3A_66 : vector<1x4x4096xf32> to vector<4x4096xf32>
    %swap3A_68 = vector.shape_cast %mul3A_62 : vector<4x4096xf32> to vector<1x4x4096xf32>
    tpu.vector_store %arg3[%swap3A_63, %swap3A_64, %swap3A_65], %swap3A_68 {strides = array<i32>} : memref<4x4x4096xf32, #tpu.memory_space<vmem>>, vector<1x4x4096xf32>,
    %sub3A_69 = arith.subf %div3A_11, %convert_element_type3A_49 : vector<4x4096xf32>
    %sub3A_70 = arith.subf %convert_element_type3A_52, %div3A_20 : vector<4x4096xf32>
    %mul3A_71 = arith.mulf %sub3A_69, %sub3A_70 : vector<4x4096xf32>
    %swap3A_72 = arith.constant 2 : index
    %swap3A_73 = arith.constant 0 : index
    %swap3A_74 = arith.constant 0 : index
    %swap3A_75 = vector.load %arg3[%swap3A_72, %swap3A_73, %swap3A_74] : memref<4x4x4096xf32, #tpu.memory_space<vmem>>, vector<1x4x4096xf32>
    %swap3A_76 = vector.shape_cast %swap3A_75 : vector<1x4x4096xf32> to vector<4x4096xf32>
    %swap3A_77 = vector.shape_cast %mul3A_71 : vector<4x4096xf32> to vector<1x4x4096xf32>
    tpu.vector_store %arg3[%swap3A_72, %swap3A_73, %swap3A_74], %swap3A_77 {strides = array<i32>} : memref<4x4x4096xf32, #tpu.memory_space<vmem>>, vector<1x4x4096xf32>,
    %sub3A_78 = arith.subf %div3A_11, %convert_element_type3A_49 : vector<4x4096xf32>
    %sub3A_79 = arith.subf %div3A_20, %convert_element_type3A_51 : vector<4x4096xf32>
    %mul3A_80 = arith.mulf %sub3A_78, %sub3A_79 : vector<4x4096xf32>
    %swap3A_81 = arith.constant 3 : index
    %swap3A_82 = arith.constant 0 : index
    %swap3A_83 = arith.constant 0 : index
    %swap3A_84 = vector.load %arg3[%swap3A_81, %swap3A_82, %swap3A_83] : memref<4x4x4096xf32, #tpu.memory_space<vmem>>, vector<1x4x4096xf32>
    %swap3A_85 = vector.shape_cast %swap3A_84 : vector<1x4x4096xf32> to vector<4x4096xf32>
    %swap3A_86 = vector.shape_cast %mul3A_80 : vector<4x4096xf32> to vector<1x4x4096xf32>
    tpu.vector_store %arg3[%swap3A_81, %swap3A_82, %swap3A_83], %swap3A_86 {strides = array<i32>} : memref<4x4x4096xf32, #tpu.memory_space<vmem>>, vector<1x4x4096xf32>,
    %iota3A = tpu.iota {dimensions = array<i32: 0>} : vector<4x4096xi32>
    %jit3A_87 = arith.constant 2 : i32
    %eq3A = arith.constant 0 : i32
    %eq3A_88 = arith.cmpi eq, %jit3A_87, %eq3A : i32
    %jit3A_89 = arith.constant 1 : i32
    %select_n3A = arith.select %eq3A_88, %jit3A_89, %jit3A_87 : i32
    %rem3A = vector.broadcast %select_n3A : i32 to vector<4x4096xi32>
    %rem3A_90 = arith.remsi %iota3A, %rem3A : vector<4x4096xi32>
    %ne3A = arith.constant 0 : i32
    %ne3A_91 = vector.broadcast %ne3A : i32 to vector<4x4096xi32>
    %ne3A_92 = arith.cmpi ne, %rem3A_90, %ne3A_91 : vector<4x4096xi32>
    %lt3A = arith.constant 0 : i32
    %lt3A_93 = vector.broadcast %lt3A : i32 to vector<4x4096xi32>
    %lt3A_94 = arith.cmpi slt, %rem3A_90, %lt3A_93 : vector<4x4096xi32>
    %lt3A_95 = arith.constant 0 : i32
    %lt3A_96 = arith.cmpi slt, %select_n3A, %lt3A_95 : i32
    %ne3A_97 = vector.broadcast %lt3A_96 : i1 to vector<4x4096xi1>
    %ne3A_98 = vector.broadcast %ne3A_97 : vector<4x4096xi1> to vector<4x4096xi1>
    %ne3A_99 = arith.xori %lt3A_94, %ne3A_98 : vector<4x4096xi1>
    %and3A = arith.andi %ne3A_99, %ne3A_92 : vector<4x4096xi1>
    %add3A_100 = vector.broadcast %select_n3A : i32 to vector<4x4096xi32>
    %add3A_101 = arith.addi %rem3A_90, %add3A_100 : vector<4x4096xi32>
    %select_n3A_102 = arith.select %and3A, %add3A_101, %rem3A_90 : vector<4x4096xi1>, vector<4x4096xi32>
    %mul3A_103 = arith.constant 35344 : i32
    %mul3A_104 = vector.broadcast %mul3A_103 : i32 to vector<4x4096xi32>
    %mul3A_105 = arith.muli %select_n3A_102, %mul3A_104 : vector<4x4096xi32>
    %mul3A_106 = arith.constant 188 : i32
    %mul3A_107 = vector.broadcast %mul3A_106 : i32 to vector<4x4096xi32>
    %mul3A_108 = arith.muli %min3A_39, %mul3A_107 : vector<4x4096xi32>
    %add3A_109 = arith.addi %mul3A_105, %mul3A_108 : vector<4x4096xi32>
    %add3A_110 = arith.addi %add3A_109, %min3A_25 : vector<4x4096xi32>
    %swap3A_111 = arith.constant 0 : index
    %swap3A_112 = arith.constant 0 : index
    %swap3A_113 = arith.constant 0 : index
    %swap3A_114 = vector.load %arg2[%swap3A_111, %swap3A_112, %swap3A_113] : memref<4x4x4096xi32, #tpu.memory_space<vmem>>, vector<1x4x4096xi32>
    %swap3A_115 = vector.shape_cast %swap3A_114 : vector<1x4x4096xi32> to vector<4x4096xi32>
    %swap3A_116 = vector.shape_cast %add3A_110 : vector<4x4096xi32> to vector<1x4x4096xi32>
    tpu.vector_store %arg2[%swap3A_111, %swap3A_112, %swap3A_113], %swap3A_116 {strides = array<i32>} : memref<4x4x4096xi32, #tpu.memory_space<vmem>>, vector<1x4x4096xi32>,
    %mul3A_117 = arith.constant 188 : i32
    %mul3A_118 = vector.broadcast %mul3A_117 : i32 to vector<4x4096xi32>
    %mul3A_119 = arith.muli %min3A_48, %mul3A_118 : vector<4x4096xi32>
    %add3A_120 = arith.addi %mul3A_105, %mul3A_119 : vector<4x4096xi32>
    %add3A_121 = arith.addi %add3A_120, %min3A_25 : vector<4x4096xi32>
    %swap3A_122 = arith.constant 1 : index
    %swap3A_123 = arith.constant 0 : index
    %swap3A_124 = arith.constant 0 : index
    %swap3A_125 = vector.load %arg2[%swap3A_122, %swap3A_123, %swap3A_124] : memref<4x4x4096xi32, #tpu.memory_space<vmem>>, vector<1x4x4096xi32>
    %swap3A_126 = vector.shape_cast %swap3A_125 : vector<1x4x4096xi32> to vector<4x4096xi32>
    %swap3A_127 = vector.shape_cast %add3A_121 : vector<4x4096xi32> to vector<1x4x4096xi32>
    tpu.vector_store %arg2[%swap3A_122, %swap3A_123, %swap3A_124], %swap3A_127 {strides = array<i32>} : memref<4x4x4096xi32, #tpu.memory_space<vmem>>, vector<1x4x4096xi32>,
    %mul3A_128 = arith.constant 188 : i32
    %mul3A_129 = vector.broadcast %mul3A_128 : i32 to vector<4x4096xi32>
    %mul3A_130 = arith.muli %min3A_39, %mul3A_129 : vector<4x4096xi32>
    %add3A_131 = arith.addi %mul3A_105, %mul3A_130 : vector<4x4096xi32>
    %add3A_132 = arith.addi %add3A_131, %min3A_33 : vector<4x4096xi32>
    %swap3A_133 = arith.constant 2 : index
    %swap3A_134 = arith.constant 0 : index
    %swap3A_135 = arith.constant 0 : index
    %swap3A_136 = vector.load %arg2[%swap3A_133, %swap3A_134, %swap3A_135] : memref<4x4x4096xi32, #tpu.memory_space<vmem>>, vector<1x4x4096xi32>
    %swap3A_137 = vector.shape_cast %swap3A_136 : vector<1x4x4096xi32> to vector<4x4096xi32>
    %swap3A_138 = vector.shape_cast %add3A_132 : vector<4x4096xi32> to vector<1x4x4096xi32>
    tpu.vector_store %arg2[%swap3A_133, %swap3A_134, %swap3A_135], %swap3A_138 {strides = array<i32>} : memref<4x4x4096xi32, #tpu.memory_space<vmem>>, vector<1x4x4096xi32>,
    %mul3A_139 = arith.constant 188 : i32
    %mul3A_140 = vector.broadcast %mul3A_139 : i32 to vector<4x4096xi32>
    %mul3A_141 = arith.muli %min3A_48, %mul3A_140 : vector<4x4096xi32>
    %add3A_142 = arith.addi %mul3A_105, %mul3A_141 : vector<4x4096xi32>
    %add3A_143 = arith.addi %add3A_142, %min3A_33 : vector<4x4096xi32>
    %swap3A_144 = arith.constant 3 : index
    %swap3A_145 = arith.constant 0 : index
    %swap3A_146 = arith.constant 0 : index
    %swap3A_147 = vector.load %arg2[%swap3A_144, %swap3A_145, %swap3A_146] : memref<4x4x4096xi32, #tpu.memory_space<vmem>>, vector<1x4x4096xi32>
    %swap3A_148 = vector.shape_cast %swap3A_147 : vector<1x4x4096xi32> to vector<4x4096xi32>
    %swap3A_149 = vector.shape_cast %add3A_143 : vector<4x4096xi32> to vector<1x4x4096xi32>
    tpu.vector_store %arg2[%swap3A_144, %swap3A_145, %swap3A_146], %swap3A_149 {strides = array<i32>} : memref<4x4x4096xi32, #tpu.memory_space<vmem>>, vector<1x4x4096xi32>,
    return
  }
}

module attributes {stable_mosaic.version = 14 : i64} {
  func.func @_proj_body(%arg0: i32, %arg1: i32, %arg2: memref<1x256x2048xf32, #tpu.memory_space<vmem>>, %arg3: memref<128x256xf32, #tpu.memory_space<vmem>>, %arg4: memref<1x2048x128xf32, #tpu.memory_space<vmem>>) attributes {dimension_semantics = [#tpu.dimension_semantics<parallel>, #tpu.dimension_semantics<parallel>], iteration_bounds = array<i64: 2, 18>, scalar_prefetch = 0 : i64, scratch_operands = 0 : i64, tpu.core_type = #tpu.core_type<tc>, window_params = [{transform_indices = @transform_0, window_bounds = array<i64: 1, 256, 2048>}, {pipeline_mode = #tpu.pipeline_mode<synchronous>, transform_indices = @transform_1, window_bounds = array<i64: 128, 256>}, {transform_indices = @transform_2, window_bounds = array<i64: 1, 2048, 128>}]} {
    %get3A = arith.constant 0 : index
    %get3A_0 = arith.constant 0 : index
    %get3A_1 = arith.constant 0 : index
    %get3A_2 = vector.load %arg2[%get3A, %get3A_0, %get3A_1] : memref<1x256x2048xf32, #tpu.memory_space<vmem>>, vector<1x256x2048xf32>
    %get3A_3 = vector.shape_cast %get3A_2 : vector<1x256x2048xf32> to vector<256x2048xf32>
    %get3A_4 = arith.constant 0 : index
    %get3A_5 = arith.constant 0 : index
    %get3A_6 = vector.load %arg3[%get3A_4, %get3A_5] : memref<128x256xf32, #tpu.memory_space<vmem>>, vector<128x256xf32>
    %dot_general3A = arith.constant dense<0.000000e+00> : vector<2048x128xf32>
    %dot_general3A_7 = tpu.matmul %get3A_3, %get3A_6, %dot_general3A {dimension_numbers = #tpu.dot_dimension_numbers<[0], [1], [1], [0], [0, 1, 1, 0], [], []>, transpose_lhs_hint = false} : vector<256x2048xf32>, vector<128x256xf32>, vector<2048x128xf32> -> vector<2048x128xf32>
    %swap3A = arith.constant 0 : index
    %swap3A_8 = arith.constant 0 : index
    %swap3A_9 = arith.constant 0 : index
    %swap3A_10 = vector.load %arg4[%swap3A, %swap3A_8, %swap3A_9] : memref<1x2048x128xf32, #tpu.memory_space<vmem>>, vector<1x2048x128xf32>
    %swap3A_11 = vector.shape_cast %swap3A_10 : vector<1x2048x128xf32> to vector<2048x128xf32>
    %swap3A_12 = vector.shape_cast %dot_general3A_7 : vector<2048x128xf32> to vector<1x2048x128xf32>
    tpu.vector_store %arg4[%swap3A, %swap3A_8, %swap3A_9], %swap3A_12 {strides = array<i32>} : memref<1x2048x128xf32, #tpu.memory_space<vmem>>, vector<1x2048x128xf32>,
    return
  }
  func.func @transform_0(%arg0: i32, %arg1: i32) -> (i32, i32, i32) {
    %c0_i32 = arith.constant 0 : i32
    %c0_i32_0 = arith.constant 0 : i32
    return %arg0, %c0_i32, %arg1 : i32, i32, i32
  }
  func.func @transform_1(%arg0: i32, %arg1: i32) -> (i32, i32) {
    %c0_i32 = arith.constant 0 : i32
    %c0_i32_0 = arith.constant 0 : i32
    %c0_i32_1 = arith.constant 0 : i32
    return %c0_i32, %c0_i32_0 : i32, i32
  }
  func.func @transform_2(%arg0: i32, %arg1: i32) -> (i32, i32, i32) {
    %c0_i32 = arith.constant 0 : i32
    %c0_i32_0 = arith.constant 0 : i32
    return %arg0, %arg1, %c0_i32 : i32, i32, i32
  }
}

module attributes {stable_mosaic.version = 14 : i64} {
  func.func @_wsum_body(%arg0: i32, %arg1: memref<4x1024x128xf32, #tpu.memory_space<vmem>>, %arg2: memref<4x1024xf32, #tpu.memory_space<vmem>>, %arg3: memref<1024x128xf32, #tpu.memory_space<vmem>>, %arg4: memref<8x128xf32, #tpu.memory_space<vmem>>, %arg5: memref<8x128xf32, #tpu.memory_space<vmem>>) attributes {dimension_semantics = [#tpu.dimension_semantics<arbitrary>], iteration_bounds = array<i64: 8>, scalar_prefetch = 0 : i64, scratch_operands = 1 : i64, tpu.core_type = #tpu.core_type<tc>, window_params = [{transform_indices = @transform_0, window_bounds = array<i64: 4, 1024, 128>}, {transform_indices = @transform_1, window_bounds = array<i64: 4, 1024>}, {transform_indices = @transform_2, window_bounds = array<i64: 1024, 128>}, {pipeline_mode = #tpu.pipeline_mode<synchronous>, transform_indices = @transform_3, window_bounds = array<i64: 8, 128>}]} {
    %get3A = arith.constant 0 : index
    %get3A_0 = arith.constant 0 : index
    %get3A_1 = vector.load %arg2[%get3A, %get3A_0] : memref<4x1024xf32, #tpu.memory_space<vmem>>, vector<4x1024xf32>
    %get3A_2 = arith.constant 0 : index
    %get3A_3 = arith.constant 0 : index
    %get3A_4 = arith.constant 0 : index
    %get3A_5 = vector.load %arg1[%get3A_2, %get3A_3, %get3A_4] : memref<4x1024x128xf32, #tpu.memory_space<vmem>>, vector<4x1024x128xf32>
    %slice3A = vector.extract_strided_slice %get3A_5 {offsets = [0, 0, 0], sizes = [1, 1024, 128], strides = [1, 1, 1]} : vector<4x1024x128xf32> to vector<1x1024x128xf32>
    %squeeze3A = vector.shape_cast %slice3A : vector<1x1024x128xf32> to vector<1024x128xf32>
    %slice3A_6 = vector.extract_strided_slice %get3A_1 {offsets = [0, 0], sizes = [1, 1024], strides = [1, 1]} : vector<4x1024xf32> to vector<1x1024xf32>
    %squeeze3A_7 = vector.shape_cast %slice3A_6 : vector<1x1024xf32> to vector<1024xf32>
    %broadcast_in_dim3A = vector.shape_cast %squeeze3A_7 : vector<1024xf32> to vector<1024x1xf32>
    %mul3A = vector.broadcast %broadcast_in_dim3A : vector<1024x1xf32> to vector<1024x128xf32>
    %mul3A_8 = arith.mulf %squeeze3A, %mul3A : vector<1024x128xf32>
    %slice3A_9 = vector.extract_strided_slice %get3A_5 {offsets = [1, 0, 0], sizes = [1, 1024, 128], strides = [1, 1, 1]} : vector<4x1024x128xf32> to vector<1x1024x128xf32>
    %squeeze3A_10 = vector.shape_cast %slice3A_9 : vector<1x1024x128xf32> to vector<1024x128xf32>
    %slice3A_11 = vector.extract_strided_slice %get3A_1 {offsets = [1, 0], sizes = [1, 1024], strides = [1, 1]} : vector<4x1024xf32> to vector<1x1024xf32>
    %squeeze3A_12 = vector.shape_cast %slice3A_11 : vector<1x1024xf32> to vector<1024xf32>
    %broadcast_in_dim3A_13 = vector.shape_cast %squeeze3A_12 : vector<1024xf32> to vector<1024x1xf32>
    %mul3A_14 = vector.broadcast %broadcast_in_dim3A_13 : vector<1024x1xf32> to vector<1024x128xf32>
    %mul3A_15 = arith.mulf %squeeze3A_10, %mul3A_14 : vector<1024x128xf32>
    %add3A = arith.addf %mul3A_8, %mul3A_15 : vector<1024x128xf32>
    %slice3A_16 = vector.extract_strided_slice %get3A_5 {offsets = [2, 0, 0], sizes = [1, 1024, 128], strides = [1, 1, 1]} : vector<4x1024x128xf32> to vector<1x1024x128xf32>
    %squeeze3A_17 = vector.shape_cast %slice3A_16 : vector<1x1024x128xf32> to vector<1024x128xf32>
    %slice3A_18 = vector.extract_strided_slice %get3A_1 {offsets = [2, 0], sizes = [1, 1024], strides = [1, 1]} : vector<4x1024xf32> to vector<1x1024xf32>
    %squeeze3A_19 = vector.shape_cast %slice3A_18 : vector<1x1024xf32> to vector<1024xf32>
    %broadcast_in_dim3A_20 = vector.shape_cast %squeeze3A_19 : vector<1024xf32> to vector<1024x1xf32>
    %mul3A_21 = vector.broadcast %broadcast_in_dim3A_20 : vector<1024x1xf32> to vector<1024x128xf32>
    %mul3A_22 = arith.mulf %squeeze3A_17, %mul3A_21 : vector<1024x128xf32>
    %add3A_23 = arith.addf %add3A, %mul3A_22 : vector<1024x128xf32>
    %slice3A_24 = vector.extract_strided_slice %get3A_5 {offsets = [3, 0, 0], sizes = [1, 1024, 128], strides = [1, 1, 1]} : vector<4x1024x128xf32> to vector<1x1024x128xf32>
    %squeeze3A_25 = vector.shape_cast %slice3A_24 : vector<1x1024x128xf32> to vector<1024x128xf32>
    %slice3A_26 = vector.extract_strided_slice %get3A_1 {offsets = [3, 0], sizes = [1, 1024], strides = [1, 1]} : vector<4x1024xf32> to vector<1x1024xf32>
    %squeeze3A_27 = vector.shape_cast %slice3A_26 : vector<1x1024xf32> to vector<1024xf32>
    %broadcast_in_dim3A_28 = vector.shape_cast %squeeze3A_27 : vector<1024xf32> to vector<1024x1xf32>
    %mul3A_29 = vector.broadcast %broadcast_in_dim3A_28 : vector<1024x1xf32> to vector<1024x128xf32>
    %mul3A_30 = arith.mulf %squeeze3A_25, %mul3A_29 : vector<1024x128xf32>
    %add3A_31 = arith.addf %add3A_23, %mul3A_30 : vector<1024x128xf32>
    %swap3A = arith.constant 0 : index
    %swap3A_32 = arith.constant 0 : index
    %swap3A_33 = vector.load %arg3[%swap3A, %swap3A_32] : memref<1024x128xf32, #tpu.memory_space<vmem>>, vector<1024x128xf32>
    tpu.vector_store %arg3[%swap3A, %swap3A_32], %add3A_31 {strides = array<i32>} : memref<1024x128xf32, #tpu.memory_space<vmem>>, vector<1024x128xf32>,
    %eq3A = arith.constant 0 : i32
    %eq3A_34 = arith.cmpi eq, %arg0, %eq3A : i32
    %convert_element_type3A = arith.extui %eq3A_34 : i1 to i32
    %cond3A = arith.constant 0 : i32
    %cond3A_35 = arith.cmpi ne, %convert_element_type3A, %cond3A : i32
    scf.if %cond3A_35 {
      %broadcast_in_dim3A_61 = arith.constant 0.000000e+00 : f32
      %broadcast_in_dim3A_62 = vector.broadcast %broadcast_in_dim3A_61 : f32 to vector<8x128xf32>
      %swap3A_63 = arith.constant 0 : index
      %swap3A_64 = arith.constant 0 : index
      %swap3A_65 = vector.load %arg5[%swap3A_63, %swap3A_64] : memref<8x128xf32, #tpu.memory_space<vmem>>, vector<8x128xf32>
      tpu.vector_store %arg5[%swap3A_63, %swap3A_64], %broadcast_in_dim3A_62 {strides = array<i32>} : memref<8x128xf32, #tpu.memory_space<vmem>>, vector<8x128xf32>,
    } else {
    }
    %get3A_36 = arith.constant 0 : index
    %get3A_37 = arith.constant 0 : index
    %get3A_38 = vector.load %arg5[%get3A_36, %get3A_37] : memref<8x128xf32, #tpu.memory_space<vmem>>, vector<1x128xf32>
    %reduce_sum3A = arith.constant dense<0.000000e+00> : vector<128xf32>
    %reduce_sum3A_39 = vector.multi_reduction <add>, %add3A_31, %reduce_sum3A [0] : vector<1024x128xf32> to vector<128xf32>
    %broadcast_in_dim3A_40 = vector.shape_cast %reduce_sum3A_39 : vector<128xf32> to vector<1x128xf32>
    %add3A_41 = arith.addf %get3A_38, %broadcast_in_dim3A_40 : vector<1x128xf32>
    %swap3A_42 = arith.constant 0 : index
    %swap3A_43 = arith.constant 0 : index
    %swap3A_44 = vector.load %arg5[%swap3A_42, %swap3A_43] : memref<8x128xf32, #tpu.memory_space<vmem>>, vector<1x128xf32>
    tpu.vector_store %arg5[%swap3A_42, %swap3A_43], %add3A_41 {strides = array<i32>} : memref<8x128xf32, #tpu.memory_space<vmem>>, vector<1x128xf32>,
    %get3A_45 = arith.constant 1 : index
    %get3A_46 = arith.constant 0 : index
    %get3A_47 = vector.load %arg5[%get3A_45, %get3A_46] : memref<8x128xf32, #tpu.memory_space<vmem>>, vector<1x128xf32>
    %mul3A_48 = arith.mulf %add3A_31, %add3A_31 : vector<1024x128xf32>
    %reduce_sum3A_49 = arith.constant dense<0.000000e+00> : vector<128xf32>
    %reduce_sum3A_50 = vector.multi_reduction <add>, %mul3A_48, %reduce_sum3A_49 [0] : vector<1024x128xf32> to vector<128xf32>
    %broadcast_in_dim3A_51 = vector.shape_cast %reduce_sum3A_50 : vector<128xf32> to vector<1x128xf32>
    %add3A_52 = arith.addf %get3A_47, %broadcast_in_dim3A_51 : vector<1x128xf32>
    %swap3A_53 = arith.constant 1 : index
    %swap3A_54 = arith.constant 0 : index
    %swap3A_55 = vector.load %arg5[%swap3A_53, %swap3A_54] : memref<8x128xf32, #tpu.memory_space<vmem>>, vector<1x128xf32>
    tpu.vector_store %arg5[%swap3A_53, %swap3A_54], %add3A_52 {strides = array<i32>} : memref<8x128xf32, #tpu.memory_space<vmem>>, vector<1x128xf32>,
    %eq3A_56 = arith.constant 7 : i32
    %eq3A_57 = arith.cmpi eq, %arg0, %eq3A_56 : i32
    %convert_element_type3A_58 = arith.extui %eq3A_57 : i1 to i32
    %cond3A_59 = arith.constant 0 : i32
    %cond3A_60 = arith.cmpi ne, %convert_element_type3A_58, %cond3A_59 : i32
    scf.if %cond3A_60 {
      %get3A_61 = arith.constant 0 : index
      %get3A_62 = arith.constant 0 : index
      %get3A_63 = vector.load %arg5[%get3A_61, %get3A_62] : memref<8x128xf32, #tpu.memory_space<vmem>>, vector<8x128xf32>
      %swap3A_64 = arith.constant 0 : index
      %swap3A_65 = arith.constant 0 : index
      %swap3A_66 = vector.load %arg4[%swap3A_64, %swap3A_65] : memref<8x128xf32, #tpu.memory_space<vmem>>, vector<8x128xf32>
      tpu.vector_store %arg4[%swap3A_64, %swap3A_65], %get3A_63 {strides = array<i32>} : memref<8x128xf32, #tpu.memory_space<vmem>>, vector<8x128xf32>,
    } else {
    }
    return
  }
  func.func @transform_0(%arg0: i32) -> (i32, i32, i32) {
    %c0_i32 = arith.constant 0 : i32
    %c0_i32_0 = arith.constant 0 : i32
    %c0_i32_1 = arith.constant 0 : i32
    return %c0_i32, %arg0, %c0_i32_0 : i32, i32, i32
  }
  func.func @transform_1(%arg0: i32) -> (i32, i32) {
    %c0_i32 = arith.constant 0 : i32
    %c0_i32_0 = arith.constant 0 : i32
    return %c0_i32, %arg0 : i32, i32
  }
  func.func @transform_2(%arg0: i32) -> (i32, i32) {
    %c0_i32 = arith.constant 0 : i32
    %c0_i32_0 = arith.constant 0 : i32
    return %arg0, %c0_i32 : i32, i32
  }
  func.func @transform_3(%arg0: i32) -> (i32, i32) {
    %c0_i32 = arith.constant 0 : i32
    %c0_i32_0 = arith.constant 0 : i32
    %c0_i32_1 = arith.constant 0 : i32
    return %c0_i32, %c0_i32_0 : i32, i32
  }
}

module attributes {stable_mosaic.version = 14 : i64} {
  func.func @_bn_body(%arg0: i32, %arg1: memref<2048x128xf32, #tpu.memory_space<vmem>>, %arg2: memref<2048x128xf32, #tpu.memory_space<vmem>>, %arg3: memref<8x128xf32, #tpu.memory_space<vmem>>, %arg4: memref<8x128xf32, #tpu.memory_space<vmem>>, %arg5: memref<1x128xf32, #tpu.memory_space<vmem>>, %arg6: memref<1x128xf32, #tpu.memory_space<vmem>>, %arg7: memref<2048x128xf32, #tpu.memory_space<vmem>>) attributes {dimension_semantics = [#tpu.dimension_semantics<arbitrary>], iteration_bounds = array<i64: 8>, scalar_prefetch = 0 : i64, scratch_operands = 0 : i64, tpu.core_type = #tpu.core_type<tc>, window_params = [{transform_indices = @transform_0, window_bounds = array<i64: 2048, 128>}, {transform_indices = @transform_1, window_bounds = array<i64: 2048, 128>}, {pipeline_mode = #tpu.pipeline_mode<synchronous>, transform_indices = @transform_2, window_bounds = array<i64: 8, 128>}, {pipeline_mode = #tpu.pipeline_mode<synchronous>, transform_indices = @transform_3, window_bounds = array<i64: 8, 128>}, {pipeline_mode = #tpu.pipeline_mode<synchronous>, transform_indices = @transform_4, window_bounds = array<i64: 1, 128>}, {pipeline_mode = #tpu.pipeline_mode<synchronous>, transform_indices = @transform_5, window_bounds = array<i64: 1, 128>}, {transform_indices = @transform_6, window_bounds = array<i64: 2048, 128>}]} {
    %get3A = arith.constant 0 : index
    %get3A_0 = arith.constant 0 : index
    %get3A_1 = vector.load %arg3[%get3A, %get3A_0] : memref<8x128xf32, #tpu.memory_space<vmem>>, vector<8x128xf32>
    %get3A_2 = arith.constant 0 : index
    %get3A_3 = arith.constant 0 : index
    %get3A_4 = vector.load %arg4[%get3A_2, %get3A_3] : memref<8x128xf32, #tpu.memory_space<vmem>>, vector<8x128xf32>
    %add3A = arith.addf %get3A_1, %get3A_4 : vector<8x128xf32>
    %slice3A = vector.extract_strided_slice %add3A {offsets = [0, 0], sizes = [1, 128], strides = [1, 1]} : vector<8x128xf32> to vector<1x128xf32>
    %mul3A = arith.constant 6.10351563E-5 : f32
    %mul3A_5 = vector.broadcast %mul3A : f32 to vector<1x128xf32>
    %mul3A_6 = arith.mulf %slice3A, %mul3A_5 : vector<1x128xf32>
    %slice3A_7 = vector.extract_strided_slice %add3A {offsets = [1, 0], sizes = [1, 128], strides = [1, 1]} : vector<8x128xf32> to vector<1x128xf32>
    %mul3A_8 = arith.constant 6.10351563E-5 : f32
    %mul3A_9 = vector.broadcast %mul3A_8 : f32 to vector<1x128xf32>
    %mul3A_10 = arith.mulf %slice3A_7, %mul3A_9 : vector<1x128xf32>
    %mul3A_11 = arith.mulf %mul3A_6, %mul3A_6 : vector<1x128xf32>
    %sub3A = arith.subf %mul3A_10, %mul3A_11 : vector<1x128xf32>
    %lt3A = arith.constant 4 : i32
    %lt3A_12 = arith.cmpi slt, %arg0, %lt3A : i32
    %get3A_13 = arith.constant 0 : index
    %get3A_14 = arith.constant 0 : index
    %get3A_15 = vector.load %arg1[%get3A_13, %get3A_14] : memref<2048x128xf32, #tpu.memory_space<vmem>>, vector<2048x128xf32>
    %get3A_16 = arith.constant 0 : index
    %get3A_17 = arith.constant 0 : index
    %get3A_18 = vector.load %arg2[%get3A_16, %get3A_17] : memref<2048x128xf32, #tpu.memory_space<vmem>>, vector<2048x128xf32>
    %select_n3A = arith.select %lt3A_12, %get3A_15, %get3A_18 : vector<2048x128xf32>
    %sub3A_19 = vector.broadcast %mul3A_6 : vector<1x128xf32> to vector<2048x128xf32>
    %sub3A_20 = arith.subf %select_n3A, %sub3A_19 : vector<2048x128xf32>
    %add3A_21 = arith.constant 9.99999974E-6 : f32
    %add3A_22 = vector.broadcast %add3A_21 : f32 to vector<1x128xf32>
    %add3A_23 = arith.addf %sub3A, %add3A_22 : vector<1x128xf32>
    %sqrt3A = math.sqrt %add3A_23 : vector<1x128xf32>
    %div3A = vector.broadcast %sqrt3A : vector<1x128xf32> to vector<2048x128xf32>
    %div3A_24 = arith.divf %sub3A_20, %div3A : vector<2048x128xf32>
    %get3A_25 = arith.constant 0 : index
    %get3A_26 = arith.constant 0 : index
    %get3A_27 = vector.load %arg5[%get3A_25, %get3A_26] : memref<1x128xf32, #tpu.memory_space<vmem>>, vector<1x128xf32>
    %mul3A_28 = vector.broadcast %get3A_27 : vector<1x128xf32> to vector<2048x128xf32>
    %mul3A_29 = arith.mulf %div3A_24, %mul3A_28 : vector<2048x128xf32>
    %get3A_30 = arith.constant 0 : index
    %get3A_31 = arith.constant 0 : index
    %get3A_32 = vector.load %arg6[%get3A_30, %get3A_31] : memref<1x128xf32, #tpu.memory_space<vmem>>, vector<1x128xf32>
    %add3A_33 = vector.broadcast %get3A_32 : vector<1x128xf32> to vector<2048x128xf32>
    %add3A_34 = arith.addf %mul3A_29, %add3A_33 : vector<2048x128xf32>
    %max3A = arith.constant 0.000000e+00 : f32
    %max3A_35 = vector.broadcast %max3A : f32 to vector<2048x128xf32>
    %max3A_36 = arith.maximumf %add3A_34, %max3A_35 : vector<2048x128xf32>
    %swap3A = arith.constant 0 : index
    %swap3A_37 = arith.constant 0 : index
    %swap3A_38 = vector.load %arg7[%swap3A, %swap3A_37] : memref<2048x128xf32, #tpu.memory_space<vmem>>, vector<2048x128xf32>
    tpu.vector_store %arg7[%swap3A, %swap3A_37], %max3A_36 {strides = array<i32>} : memref<2048x128xf32, #tpu.memory_space<vmem>>, vector<2048x128xf32>,
    return
  }
  func.func @transform_0(%arg0: i32) -> (i32, i32) {
    %min3A = arith.constant 3 : i32
    %min3A_0 = arith.minsi %arg0, %min3A : i32
    %c0_i32 = arith.constant 0 : i32
    %c0_i32_1 = arith.constant 0 : i32
    return %min3A_0, %c0_i32 : i32, i32
  }
  func.func @transform_1(%arg0: i32) -> (i32, i32) {
    %sub3A = arith.constant 4 : i32
    %sub3A_0 = arith.subi %arg0, %sub3A : i32
    %max3A = arith.constant 0 : i32
    %max3A_1 = arith.maxsi %sub3A_0, %max3A : i32
    %c0_i32 = arith.constant 0 : i32
    %c0_i32_2 = arith.constant 0 : i32
    return %max3A_1, %c0_i32 : i32, i32
  }
  func.func @transform_2(%arg0: i32) -> (i32, i32) {
    %c0_i32 = arith.constant 0 : i32
    %c0_i32_0 = arith.constant 0 : i32
    %c0_i32_1 = arith.constant 0 : i32
    return %c0_i32, %c0_i32_0 : i32, i32
  }
  func.func @transform_3(%arg0: i32) -> (i32, i32) {
    %c0_i32 = arith.constant 0 : i32
    %c0_i32_0 = arith.constant 0 : i32
    %c0_i32_1 = arith.constant 0 : i32
    return %c0_i32, %c0_i32_0 : i32, i32
  }
  func.func @transform_4(%arg0: i32) -> (i32, i32) {
    %c0_i32 = arith.constant 0 : i32
    %c0_i32_0 = arith.constant 0 : i32
    %c0_i32_1 = arith.constant 0 : i32
    return %c0_i32, %c0_i32_0 : i32, i32
  }
  func.func @transform_5(%arg0: i32) -> (i32, i32) {
    %c0_i32 = arith.constant 0 : i32
    %c0_i32_0 = arith.constant 0 : i32
    %c0_i32_1 = arith.constant 0 : i32
    return %c0_i32, %c0_i32_0 : i32, i32
  }
  func.func @transform_6(%arg0: i32) -> (i32, i32) {
    %c0_i32 = arith.constant 0 : i32
    %c0_i32_0 = arith.constant 0 : i32
    return %arg0, %c0_i32 : i32, i32
  }
}

</mosaic_0001>

<sc_bundles>
// kernel: kernel.10.cloned.1.call-start
scs
__scs_entry_jumppad:
0x0: {  	(pc) =	sbr.rel $0x88, $3  }
0x1: {  	(tag) =	ssettag $0x0;
	lr =	simm.s32 $0x1  }
0x2: {  	[smem:$0x3F9C] =	sst lr;
	_ =	strace $0xD0000000  }
0x3: {  	_ = 	snop  }
0x4: {  	_ = 	snop  }
0x5: {  	_ = 	snop  }
0x6: {  	_ = 	snop  }
0x7: {  	_ = 	snop  }
__scs_overlays_trampoline_lowered:
0x8: {  	[smem:$0x3FAB] =	sst s0  }
0x9: {  	[smem:$0x3FAC] =	sst s1  }
0xa: {  	[smem:$0x3FAD] =	sst s2  }
0xb: {  	[smem:$0x3FAE] =	sst s3  }
0xc: {  	[smem:$0x3FAF] =	sst s4  }
0xd: {  	[smem:$0x3FB0] =	sst s5  }
0xe: {  	[smem:$0x3FB1] =	sst s6  }
0xf: {  	[smem:$0x3FB2] =	sst s7  }
0x10: {  	[smem:$0x3FB3] =	sst s8  }
0x11: {  	[smem:$0x3FB4] =	sst s9;
	s0 =	simm.s32 @!p0 $0x0  }
0x12: {  	s1 =	sld [smem:$0x3F9A];
	s0 =	simm.s32 @p0 $0x1  }
0x13: {  	[smem:$0x3FB5] =	sst s0;
	s0 =	simm.s32 @!p1 $0x0  }
0x14: {  	s2 =	sld [smem:$0x3F99];
	s0 =	simm.s32 @p1 $0x1  }
0x15: {  	[smem:$0x3FB6] =	sst s0;
	s0 =	simm.s32 @!p2 $0x0  }
0x16: {  	s3 =	sld [smem:$0x3FDB];
	s0 =	simm.s32 @p2 $0x1  }
0x17: {  	s4 =	simm.s32 $0x1BF5;
	[smem:$0x3FB8] =	sst s0  }
0x18: {  	s0 =	sld [smem:$0x3F9B];
	_ =	swait.ge [sflag:s4], $0x0  }
0x19: {  	s7 =	sld [smem:$0x3F9C]  }
0x1a: {  	s8 =	sadd.s32 $0xFFFFE003, lr  }
0x1b: {  	s9 =	sadd.s32 $0xFFFFFEF7, lr;
	s5 =	simm.s32 $0xFFFFFFFF;
	p2 =	slt.u32 s8, $0xFFFFF086  }
0x1c: {  	p1 =	slt.u32 s9, $0xF7A;
	s5 =	simm.s32 @!p2 $0x0  }
0x1d: {  	s5 =	simm.s32 @p1 $0x1;
	p0 =	seq.s32 s7, s2  }
0x1e: {  	s7 =	smul.u32 @!p0 $0xF7A, s2;
	p2 =	seq.s32 @!p0 s5, $0x0  }
0x1f: {  	s9 =	smul.u32 $0xF7A, s1;
	s8 =	simm.s32 @!p0 $0x1BF5;
	p2 =	por !p2, p0  }
0x20: {  	[sflag:s8] =	ssyncset.s32 @!p0 $0xFFFFF086;
	s6 =	sadd.s32 @!p0 s3, s7;
	s7 =	simm.s32 @!p0 $0x108  }
0x21: {  	s3 =	sadd.s32 s3, s9;
	s6 =	sadd.s32 @!p0 $0x88, s6;
	s7 =	simm.s32 @p2 $0x1082  }
0x22: {  	[simem:s7], [sflag:s8] =	dma.local @!p0 [hbm:s6], $0xF7A  }
0x23: {  	s9 =	sor.u32 $0xD0000000, s2;
	s6 =	simm.s32 $0x108;
	_ =	swait.ge @!p0 [sflag:s8], $0x0  }
0x24: {  	s3 =	sadd.s32 $0x88, s3;
	s6 =	simm.s32 @!p1 $0x1082;
	[sflag:s4] =	ssyncset.s32 $0xFFFFF086  }
0x25: {  	[simem:s6], [sflag:s4] =	dma.local [hbm:s3], $0xF7A  }
0x26: {  	[smem:$0x3F9C] =	sst s1;
	(tag) =	ssettag s2;
	_ =	strace s9  }
0x27: {  	s1 =	sld [smem:$0x3FAC]  }
0x28: {  	s2 =	sld [smem:$0x3FAD]  }
0x29: {  	s4 =	sld [smem:$0x3FAF]  }
0x2a: {  	p0 =	seq.s32 s5, $0x0;
	s5 =	sld [smem:$0x3FB0]  }
0x2b: {  	s6 =	sld [smem:$0x3FB1]  }
0x2c: {  	s7 =	sld [smem:$0x3FB2]  }
0x2d: {  	s3 =	simm.s32 $0x108;
	s8 =	sld [smem:$0x3FB3]  }
0x2e: {  	s3 =	simm.s32 @!p0 $0x1082;
	s9 =	sld [smem:$0x3FB4]  }
0x2f: {  	lr =	sadd.s32 s0, s3;
	s0 =	sld [smem:$0x3FAB]  }
0x30: {  	s3 =	sld [smem:$0x3FAE]  }
0x31: {  	[smem:$0x3FB7] =	sst s10  }
0x32: {  	s10 =	sld [smem:$0x3FB5];
	_ =	sdelay $0x3  }
0x33: {  	p0 =	seq.s32 s10, $0x1;
	s10 =	sld [smem:$0x3FB7];
	_ =	sdelay $0x3  }
0x34: {  	[smem:$0x3FB7] =	sst s10  }
0x35: {  	s10 =	sld [smem:$0x3FB6];
	_ =	sdelay $0x3  }
0x36: {  	p1 =	seq.s32 s10, $0x1;
	s10 =	sld [smem:$0x3FB7];
	_ =	sdelay $0x3  }
0x37: {  	[smem:$0x3FB7] =	sst s10  }
0x38: {  	s10 =	sld [smem:$0x3FB8]  }
0x39: {  	_ = 	snop;
	(pc) =	sbr.ind lr, $3  }
0x3a: {  	_ = 	snop  }
0x3b: {  	_ = 	snop  }
0x3c: {  	p2 =	seq.s32 s10, $0x1;
	s10 =	sld [smem:$0x3FB7]  }
0x3d: {  	_ =	shalt  }
0x3e: {  	_ =	shalt  }
0x3f: {  	_ =	shalt  }
0x40: {  	_ =	shalt  }
0x41: {  	_ =	shalt  }
0x42: {  	_ =	shalt  }
0x43: {  	_ =	shalt  }
0x44: {  	_ =	shalt  }
0x45: {  	_ =	shalt  }
0x46: {  	_ =	shalt  }
0x47: {  	_ =	shalt  }
0x48: {  	_ =	shalt  }
0x49: {  	_ =	shalt  }
0x4a: {  	_ =	shalt  }
0x4b: {  	_ =	shalt  }
0x4c: {  	_ =	shalt  }
0x4d: {  	_ =	shalt  }
0x4e: {  	_ =	shalt  }
0x4f: {  	_ =	shalt  }
0x50: {  	_ =	shalt  }
0x51: {  	_ =	shalt  }
0x52: {  	_ =	shalt  }
0x53: {  	_ =	shalt  }
0x54: {  	_ =	shalt  }
0x55: {  	_ =	shalt  }
0x56: {  	_ =	shalt  }
0x57: {  	_ =	shalt  }
0x58: {  	_ =	shalt  }
0x59: {  	_ =	shalt  }
0x5a: {  	_ =	shalt  }
0x5b: {  	_ =	shalt  }
0x5c: {  	_ =	shalt  }
0x5d: {  	_ =	shalt  }
0x5e: {  	_ =	shalt  }
0x5f: {  	_ =	shalt  }
0x60: {  	_ =	shalt  }
0x61: {  	_ =	shalt  }
0x62: {  	_ =	shalt  }
0x63: {  	_ =	shalt  }
0x64: {  	_ =	shalt  }
0x65: {  	_ =	shalt  }
0x66: {  	_ =	shalt  }
0x67: {  	_ =	shalt  }
0x68: {  	_ =	shalt  }
0x69: {  	_ =	shalt  }
0x6a: {  	_ =	shalt  }
0x6b: {  	_ =	shalt  }
0x6c: {  	_ =	shalt  }
0x6d: {  	_ =	shalt  }
0x6e: {  	_ =	shalt  }
0x6f: {  	_ =	shalt  }
0x70: {  	_ =	shalt  }
0x71: {  	_ =	shalt  }
0x72: {  	_ =	shalt  }
0x73: {  	_ =	shalt  }
0x74: {  	_ =	shalt  }
0x75: {  	_ =	shalt  }
0x76: {  	_ =	shalt  }
0x77: {  	_ =	shalt  }
0x78: {  	_ =	shalt  }
0x79: {  	_ =	shalt  }
0x7a: {  	_ =	shalt  }
0x7b: {  	_ =	shalt  }
0x7c: {  	_ =	shalt  }
0x7d: {  	_ =	shalt  }
0x7e: {  	_ =	shalt  }
0x7f: {  	_ =	shalt  }
0x80: {  	_ =	shalt  }
0x81: {  	_ =	shalt  }
0x82: {  	_ =	shalt  }
0x83: {  	_ =	shalt  }
0x84: {  	_ =	shalt  }
0x85: {  	_ =	shalt  }
0x86: {  	_ =	shalt  }
0x87: {  	_ =	shalt  }
.Lfunc_end0:
.L_simem_size_0:
called_computation_lowered:
.L_overlay_start_0:
0x88: {  	s2 =	sld [smem:$0x3FD9]  }
0x89: {  	s3 =	sld [smem:$0x3FFE];
	_ =	sdelay $0x1  }
0x8a: {  	s1 =	srdreg.scid  }
0x8b: {  	s0 =	sand.u32 $0x1, s1  }
0x8c: {  	s17 =	sshll.u32 s0, $0xA;
	s2 =	sadd.s32 s3, s2  }
0x8d: {  	s2 =	sadd.s32 s2, s17  }
0x8e: {  	[smem:$0x3FC3] =	sst s2  }
0x8f: {  	_ = 	snop  }
0x90: {  	(tm) =	ssettm $0x1  }
0x91: {  	s18 =	sld [smem:$0x3FFB];
	_ =	sdelay $0x3  }
0x92: {  	_ =	strace s18  }
0x93: {  	s2 =	sld [smem:$0x3FFC];
	_ =	sdelay $0x3  }
0x94: {  	_ =	strace s2  }
0x95: {  	s2 =	sld [smem:$0x3FFD];
	_ =	sdelay $0x3  }
0x96: {  	_ =	strace s2  }
0x97: {  	_ =	strace $0x8FFFFFFF  }
0x98: {  	s19 =	sld [smem:$0x3FDB];
	_ =	sdelay $0x1  }
0x99: {  	s20 =	simm.s32 $_scs_section_size  }
0x9a: {  	s4 =	simm.s32 $_size__tile_overlayer_lowered;
	s5 =	simm.s32 $_tile_overlayer_lowered  }
0x9b: {  	s6 =	simm.s32 $0x1BFF;
	s21 =	sshll.u32 s5, $0x1;
	s3 =	sadd.s32 s20, s19  }
0x9c: {  	s22 =	simm.s32 $0x0;
	s4 =	sshll.u32 s4, $0x1;
	s5 =	sadd.s32 s21, s3  }
0x9d: {  	[timem:s22], [sflag:s6] =	dma.local [hbm:s5], s4  }
0x9e: {  	_ =	swait.ge [sflag:s6], s4  }
0x9f: {  	s4 =	ssub.s32 $0x0, s4;
	[sflag:s6] =	ssyncset.done $0x0  }
0xa0: {  	[sflag:s6] =	ssyncadd.s32 s4;
	_ =	sdelay $0x1  }
0xa1: {  	s23 =	simm.s32 $0x1B8B  }
0xa2: {  	_ =	swait.ge [sflag:s23], $0x1  }
0xa3: {  	[sflag:s23] =	ssyncset.done $0x0  }
0xa4: {  	[sflag:s23] =	ssyncadd.s32 $0xFFFFFFFF  }
0xa5: {  	s4 =	sld [smem:$0x0]  }
0xa6: {  	s5 =	sand.u32 $0xFFFFFFFE, s1  }
0xa7: {  	p0 =	sne.s32 s1, s5  }
0xa8: {  	s5 =	sshll.u32 @p0 s5, $0xE  }
0xa9: {  	s5 =	sadd.s32 @p0 $0x11B8D, s5;
	s6 =	sshll.u32 @p0 s4, $0x11  }
0xaa: {  	s5 =	sor.u32 @p0 s6, s5  }
0xab: {  	[sflag:s5] =	ssyncadd.remote.s32 @p0 $0x1;
	_ =	sdelay $0x1  }
0xac: {  	s5 =	simm.s32 @p0 $0x1B8D  }
0xad: {  	_ =	swait.eq @p0 [sflag:s5], $0x1  }
0xae: {  	[sflag:s5] =	ssyncadd.s32 @p0 $0xFFFFFFFF  }
0xaf: {  	s6 =	sshll.u32 @!p0 s1, $0xE  }
0xb0: {  	s6 =	sor.u32 @!p0 $0x4000, s6;
	s5 =	simm.s32 @!p0 $0x1B8D  }
0xb1: {  	s4 =	sshll.u32 @!p0 s4, $0x11;
	s6 =	sadd.s32 @!p0 $0x11B8D, s6;
	_ =	swait.eq @!p0 [sflag:s5], $0x1  }
0xb2: {  	s4 =	sor.u32 @!p0 s4, s6;
	[sflag:s5] =	ssyncadd.s32 @!p0 $0xFFFFFFFF  }
0xb3: {  	s25 =	simm.s32 $0x1B8E;
	s24 =	sld [smem:$0x3FFE];
	[sflag:s4] =	ssyncadd.remote.s32 @!p0 $0x1  }
0xb4: {  	s26 =	simm.s32 $execute0_lowered;
	[smem:$0x3FD2] =	sst s25  }
0xb5: {  	s5 =	sshll.u32 s26, $0x1;
	_ =	strace $0x80000049;
	[dreg:$0x1] =	wrdreg $0xFFFFFFFF  }
0xb6: {  	s28 =	simm.s32 $_size_execute0_lowered;
	s3 =	sadd.s32 s3, s5;
	[dreg:$0x0] =	wrdreg $0x0  }
0xb7: {  	s5 =	sshll.u32 s28, $0x1;
	[dreg:$0x2] =	wrdreg s3  }
0xb8: {  	[dreg:$0x3] =	wrdreg s5  }
0xb9: {  	[dreg:$0x4] =	wrdreg $0xC0  }
0xba: {  	_ =	task [dreg:s22], $0x5FFFF  }
0xbb: {  	[dreg:$0x1] =	wrdreg $0xFFFFFFFF  }
0xbc: {  	[dreg:$0x0] =	wrdreg $0x60  }
0xbd: {  	[dreg:$0x2] =	wrdreg s24  }
0xbe: {  	[dreg:$0x3] =	wrdreg $0x9  }
0xbf: {  	_ =	task.clear_ibuf [dreg:s22], $0x4FFFF;
	_ =	strace $0x90000049  }
0xc0: {  	s29 =	simm.s32 $0x9;
	_ =	strace $0x8000004B  }
0xc1: {  	_ =	swait.ge [sflag:s29], $0x1  }
0xc2: {  	[sflag:s29] =	ssyncadd.s32 $0xFFFFFFFF  }
0xc3: {  	_ =	strace $0x9000004B  }
0xc4: {  	_ =	sfence  }
0xc5: {  	s30 =	sld [smem:$0x0];
	_ =	sdelay $0x2  }
0xc6: {  	s31 =	sshll.u32 s1, $0xD;
	s1 =	sshrl.u32 s1, $0x2  }
0xc7: {  	s4 =	sand.u32 $0x4000, s31;
	s1 =	sadd.s32 s1, s30  }
0xc8: {  	s0 =	sor.u32 s4, s0;
	s1 =	sshll.u32 s1, $0x11  }
0xc9: {  	s0 =	sor.u32 s1, s0  }
0xca: {  	s0 =	sadd.s32 $0x8F2B, s0  }
0xcb: {  	[sflag:s0] =	ssyncadd.remote.s32 $0x1  }
0xcc: {  	_ =	sfence.sel $0xFFFF  }
0xcd: {  	[dreg:$0x0] =	wrdreg $0xFFFFFFFF;
	(pc) =	sbr.abs _section_cstart, $3  }
0xce: {  	[dreg:$0x1] =	wrdreg $0xFFFFFFFF  }
0xcf: {  	_ =	task.clear_ibuf [dreg:s22], $0x2FFFF;
	_ =	strace $0x9FFFFFFF  }
0xd0: {  	(tm) =	ssettm $0x7FFFFFFF  }
0xd1: {  	_ =	shalt  }
tec
execute0_lowered:
.L_overlay_start_1:
0x0: {  	(tag) =	ssettag $0x1  }
0x1: {  	s1 =	srdreg.scid  }
0x2: {  	s0 =	stileid.u32;
	s22 =	sand.u32 $0x1, s1  }
0x3: {  	s8 =	rddreg [dreg:$0x0];
	s3 =	sshll.u32 s0, $0xB;
	s4 =	sshll.u32 s22, $0xA  }
0x4: {  	s2 =	simm.s32 $0x0;
	s1 =	rddreg [dreg:$0x1];
	s24 =	sor.u32 s4, s3  }
0x5: {  	[smem:$0x7FF] =	sst s2;
	s21 =	sadd.s32 $0x2400, s8;
	s3 =	sshrl.u32 s24, $0x3  }
0x6: {  	_ =	strace $0x8000004A;
	s4 =	sadd.s32 s21, s3;
	s3 =	simm.s32 $0x2  }
0x7: {  	[tilespmem:s2], [sflag:$0x2] =	stream.linear.gather [hbm4b:s4+s2], $0x80, $0x38;
	[tilespmem:$0x4080] =	vst v63  }
0x8: {  	_ =	swait.ge [sflag:s3], $0x80  }
0x9: {  	s6 =	simm.s32 $0x80;
	[sflag:s3] =	ssyncset.done $0x0  }
0xa: {  	s7 =	simm.s32 $0x1;
	s5 =	sadd.s32 $0x198600, s8;
	[sflag:s3] =	ssyncadd.s32 $0xFFFFFF80  }
0xb: {  	[tilespmem:s6], [sflag:$0x1] =	stream.indirect.gather [hbm4b:s5+s6], $0x80, s2, s6, $0xb8;
	[tilespmem:$0x4080] =	vst v63  }
0xc: {  	_ =	swait.ge [sflag:s7], $0x4000  }
0xd: {  	s23 =	sadd.s32 $0x2AC800, s8;
	s28 =	sshll.u32 s24, $0x4;
	[sflag:s7] =	ssyncset.done $0x0  }
0xe: {  	s8 =	sadd.s32 s23, s28;
	[sflag:s7] =	ssyncadd.s32 $0xFFFFC000  }
0xf: {  	[hbm4b:s8+s2] =	stream.linear.scatter [tilespmem:s6], [sflag:$0x2], $0x4000, $0x38;
	[tilespmem:$0x4080] =	vst v63  }
0x10: {  	s10 =	sor.u32 $0x80, s24;
	_ =	swait.ge [sflag:s3], $0x4000  }
0x11: {  	s9 =	sshrl.u32 s10, $0x3;
	[sflag:s3] =	ssyncset.done $0x0  }
0x12: {  	s9 =	sadd.s32 s21, s9;
	[sflag:s3] =	ssyncadd.s32 $0xFFFFC000  }
0x13: {  	[tilespmem:s2], [sflag:$0x2] =	stream.linear.gather [hbm4b:s9+s2], $0x80, $0x38;
	[tilespmem:$0x4080] =	vst v63  }
0x14: {  	_ =	swait.ge [sflag:s3], $0x80  }
0x15: {  	[sflag:s3] =	ssyncset.done $0x0  }
0x16: {  	[sflag:s3] =	ssyncadd.s32 $0xFFFFFF80  }
0x17: {  	[tilespmem:s6], [sflag:$0x1] =	stream.indirect.gather [hbm4b:s5+s6], $0x80, s2, s6, $0xb8;
	[tilespmem:$0x4080] =	vst v63  }
0x18: {  	_ =	swait.ge [sflag:s7], $0x4000  }
0x19: {  	s10 =	sshll.u32 s10, $0x4;
	[sflag:s7] =	ssyncset.done $0x0  }
0x1a: {  	s10 =	sadd.s32 s23, s10;
	[sflag:s7] =	ssyncadd.s32 $0xFFFFC000  }
0x1b: {  	[hbm4b:s10+s2] =	stream.linear.scatter [tilespmem:s6], [sflag:$0x2], $0x4000, $0x38;
	[tilespmem:$0x4080] =	vst v63  }
0x1c: {  	s12 =	sor.u32 $0x100, s24;
	_ =	swait.ge [sflag:s3], $0x4000  }
0x1d: {  	s11 =	sshrl.u32 s12, $0x3;
	[sflag:s3] =	ssyncset.done $0x0  }
0x1e: {  	s11 =	sadd.s32 s21, s11;
	[sflag:s3] =	ssyncadd.s32 $0xFFFFC000  }
0x1f: {  	[tilespmem:s2], [sflag:$0x2] =	stream.linear.gather [hbm4b:s11+s2], $0x80, $0x38;
	[tilespmem:$0x4080] =	vst v63  }
0x20: {  	_ =	swait.ge [sflag:s3], $0x80  }
0x21: {  	[sflag:s3] =	ssyncset.done $0x0  }
0x22: {  	[sflag:s3] =	ssyncadd.s32 $0xFFFFFF80  }
0x23: {  	[tilespmem:s6], [sflag:$0x1] =	stream.indirect.gather [hbm4b:s5+s6], $0x80, s2, s6, $0xb8;
	[tilespmem:$0x4080] =	vst v63  }
0x24: {  	_ =	swait.ge [sflag:s7], $0x4000  }
0x25: {  	s12 =	sshll.u32 s12, $0x4;
	[sflag:s7] =	ssyncset.done $0x0  }
0x26: {  	s12 =	sadd.s32 s23, s12;
	[sflag:s7] =	ssyncadd.s32 $0xFFFFC000  }
0x27: {  	[hbm4b:s12+s2] =	stream.linear.scatter [tilespmem:s6], [sflag:$0x2], $0x4000, $0x38;
	[tilespmem:$0x4080] =	vst v63  }
0x28: {  	s14 =	sor.u32 $0x180, s24;
	_ =	swait.ge [sflag:s3], $0x4000  }
0x29: {  	s13 =	sshrl.u32 s14, $0x3;
	[sflag:s3] =	ssyncset.done $0x0  }
0x2a: {  	s13 =	sadd.s32 s21, s13;
	[sflag:s3] =	ssyncadd.s32 $0xFFFFC000  }
0x2b: {  	[tilespmem:s2], [sflag:$0x2] =	stream.linear.gather [hbm4b:s13+s2], $0x80, $0x38;
	[tilespmem:$0x4080] =	vst v63  }
0x2c: {  	_ =	swait.ge [sflag:s3], $0x80  }
0x2d: {  	[sflag:s3] =	ssyncset.done $0x0  }
0x2e: {  	[sflag:s3] =	ssyncadd.s32 $0xFFFFFF80  }
0x2f: {  	[tilespmem:s6], [sflag:$0x1] =	stream.indirect.gather [hbm4b:s5+s6], $0x80, s2, s6, $0xb8;
	[tilespmem:$0x4080] =	vst v63  }
0x30: {  	_ =	swait.ge [sflag:s7], $0x4000  }
0x31: {  	s14 =	sshll.u32 s14, $0x4;
	[sflag:s7] =	ssyncset.done $0x0  }
0x32: {  	s14 =	sadd.s32 s23, s14;
	[sflag:s7] =	ssyncadd.s32 $0xFFFFC000  }
0x33: {  	[hbm4b:s14+s2] =	stream.linear.scatter [tilespmem:s6], [sflag:$0x2], $0x4000, $0x38;
	[tilespmem:$0x4080] =	vst v63  }
0x34: {  	s16 =	sor.u32 $0x200, s24;
	_ =	swait.ge [sflag:s3], $0x4000  }
0x35: {  	s15 =	sshrl.u32 s16, $0x3;
	[sflag:s3] =	ssyncset.done $0x0  }
0x36: {  	s15 =	sadd.s32 s21, s15;
	[sflag:s3] =	ssyncadd.s32 $0xFFFFC000  }
0x37: {  	[tilespmem:s2], [sflag:$0x2] =	stream.linear.gather [hbm4b:s15+s2], $0x80, $0x38;
	[tilespmem:$0x4080] =	vst v63  }
0x38: {  	_ =	swait.ge [sflag:s3], $0x80  }
0x39: {  	[sflag:s3] =	ssyncset.done $0x0  }
0x3a: {  	[sflag:s3] =	ssyncadd.s32 $0xFFFFFF80  }
0x3b: {  	[tilespmem:s6], [sflag:$0x1] =	stream.indirect.gather [hbm4b:s5+s6], $0x80, s2, s6, $0xb8;
	[tilespmem:$0x4080] =	vst v63  }
0x3c: {  	_ =	swait.ge [sflag:s7], $0x4000  }
0x3d: {  	s16 =	sshll.u32 s16, $0x4;
	[sflag:s7] =	ssyncset.done $0x0  }
0x3e: {  	s16 =	sadd.s32 s23, s16;
	[sflag:s7] =	ssyncadd.s32 $0xFFFFC000  }
0x3f: {  	[hbm4b:s16+s2] =	stream.linear.scatter [tilespmem:s6], [sflag:$0x2], $0x4000, $0x38;
	[tilespmem:$0x4080] =	vst v63  }
0x40: {  	s18 =	sor.u32 $0x280, s24;
	_ =	swait.ge [sflag:s3], $0x4000  }
0x41: {  	s17 =	sshrl.u32 s18, $0x3;
	[sflag:s3] =	ssyncset.done $0x0  }
0x42: {  	s17 =	sadd.s32 s21, s17;
	[sflag:s3] =	ssyncadd.s32 $0xFFFFC000  }
0x43: {  	[tilespmem:s2], [sflag:$0x2] =	stream.linear.gather [hbm4b:s17+s2], $0x80, $0x38;
	[tilespmem:$0x4080] =	vst v63  }
0x44: {  	_ =	swait.ge [sflag:s3], $0x80  }
0x45: {  	[sflag:s3] =	ssyncset.done $0x0  }
0x46: {  	[sflag:s3] =	ssyncadd.s32 $0xFFFFFF80  }
0x47: {  	[tilespmem:s6], [sflag:$0x1] =	stream.indirect.gather [hbm4b:s5+s6], $0x80, s2, s6, $0xb8;
	[tilespmem:$0x4080] =	vst v63  }
0x48: {  	_ =	swait.ge [sflag:s7], $0x4000  }
0x49: {  	s18 =	sshll.u32 s18, $0x4;
	[sflag:s7] =	ssyncset.done $0x0  }
0x4a: {  	s18 =	sadd.s32 s23, s18;
	[sflag:s7] =	ssyncadd.s32 $0xFFFFC000  }
0x4b: {  	[hbm4b:s18+s2] =	stream.linear.scatter [tilespmem:s6], [sflag:$0x2], $0x4000, $0x38;
	[tilespmem:$0x4080] =	vst v63  }
0x4c: {  	s20 =	sor.u32 $0x300, s24;
	_ =	swait.ge [sflag:s3], $0x4000  }
0x4d: {  	s19 =	sshrl.u32 s20, $0x3;
	[sflag:s3] =	ssyncset.done $0x0  }
0x4e: {  	s19 =	sadd.s32 s21, s19;
	[sflag:s3] =	ssyncadd.s32 $0xFFFFC000  }
0x4f: {  	[tilespmem:s2], [sflag:$0x2] =	stream.linear.gather [hbm4b:s19+s2], $0x80, $0x38;
	[tilespmem:$0x4080] =	vst v63  }
0x50: {  	_ =	swait.ge [sflag:s3], $0x80  }
0x51: {  	[sflag:s3] =	ssyncset.done $0x0  }
0x52: {  	[sflag:s3] =	ssyncadd.s32 $0xFFFFFF80  }
0x53: {  	[tilespmem:s6], [sflag:$0x1] =	stream.indirect.gather [hbm4b:s5+s6], $0x80, s2, s6, $0xb8;
	[tilespmem:$0x4080] =	vst v63  }
0x54: {  	_ =	swait.ge [sflag:s7], $0x4000  }
0x55: {  	s20 =	sshll.u32 s20, $0x4;
	[sflag:s7] =	ssyncset.done $0x0  }
0x56: {  	s20 =	sadd.s32 s23, s20;
	[sflag:s7] =	ssyncadd.s32 $0xFFFFC000  }
0x57: {  	[hbm4b:s20+s2] =	stream.linear.scatter [tilespmem:s6], [sflag:$0x2], $0x4000, $0x38;
	[tilespmem:$0x4080] =	vst v63  }
0x58: {  	s24 =	sor.u32 $0x380, s24;
	_ =	swait.ge [sflag:s3], $0x4000  }
0x59: {  	s25 =	sshrl.u32 s24, $0x3;
	[sflag:s3] =	ssyncset.done $0x0  }
0x5a: {  	s22 =	ssub.s32 $0x2, s22;
	s21 =	sadd.s32 s21, s25;
	[sflag:s3] =	ssyncadd.s32 $0xFFFFC000  }
0x5b: {  	[tilespmem:s2], [sflag:$0x2] =	stream.linear.gather [hbm4b:s21+s2], $0x80, $0x38;
	[tilespmem:$0x4080] =	vst v63  }
0x5c: {  	s29 =	sshrl.u32 s22, $0x1;
	_ =	swait.ge [sflag:s3], $0x80  }
0x5d: {  	s25 =	ssub.s32 s22, s29;
	[sflag:s3] =	ssyncset.done $0x0  }
0x5e: {  	s31 =	smax.u32 s25, $0x1;
	[sflag:s3] =	ssyncadd.s32 $0xFFFFFF80  }
0x5f: {  	[tilespmem:s6], [sflag:$0x1] =	stream.indirect.gather [hbm4b:s5+s6], $0x80, s2, s6, $0xb8;
	[tilespmem:$0x4080] =	vst v63  }
0x60: {  	p0 =	sne.s32 s31, $0x1;
	_ =	swait.ge [sflag:s7], $0x4000  }
.Ltmp0:
0x61: {  	s30 =	sshll.u32 s24, $0x4;
	[sflag:s7] =	ssyncset.done $0x0;
	(pc) =	sbr.rel @!p0 .LBB2_2-.Ltmp0, $4  }
0x62: {  	s22 =	sadd.s32 s23, s30;
	[sflag:s7] =	ssyncadd.s32 $0xFFFFC000  }
0x63: {  	[hbm4b:s22+s2] =	stream.linear.scatter [tilespmem:s6], [sflag:$0x2], $0x4000, $0x38;
	[tilespmem:$0x4080] =	vst v63  }
0x64: {  	_ =	swait.ge [sflag:s3], $0x4000  }
0x65: {  	s23 =	sadd.s32 $0xFFFFFFFF, s31;
	[sflag:s3] =	ssyncset.done $0x0  }
.LBB2_1:
0x66: {  	p0 =	sne.s32 s23, $0x1;
	s23 =	sadd.s32 $0xFFFFFFFF, s23;
	[sflag:s3] =	ssyncadd.s32 $0xFFFFC000  }
0x67: {  	[tilespmem:s2], [sflag:$0x2] =	stream.linear.gather [hbm4b:s4+s2], $0x80, $0x38;
	[tilespmem:$0x4080] =	vst v63  }
0x68: {  	_ =	swait.ge [sflag:s3], $0x80  }
0x69: {  	[sflag:s3] =	ssyncset.done $0x0  }
0x6a: {  	[sflag:s3] =	ssyncadd.s32 $0xFFFFFF80  }
0x6b: {  	[tilespmem:s6], [sflag:$0x1] =	stream.indirect.gather [hbm4b:s5+s6], $0x80, s2, s6, $0xb8;
	[tilespmem:$0x4080] =	vst v63  }
0x6c: {  	_ =	swait.ge [sflag:s7], $0x4000  }
0x6d: {  	[sflag:s7] =	ssyncset.done $0x0  }
0x6e: {  	[sflag:s7] =	ssyncadd.s32 $0xFFFFC000  }
0x6f: {  	[hbm4b:s8+s2] =	stream.linear.scatter [tilespmem:s6], [sflag:$0x2], $0x4000, $0x38;
	[tilespmem:$0x4080] =	vst v63  }
0x70: {  	_ =	swait.ge [sflag:s3], $0x4000  }
0x71: {  	[sflag:s3] =	ssyncset.done $0x0  }
0x72: {  	[sflag:s3] =	ssyncadd.s32 $0xFFFFC000  }
0x73: {  	[tilespmem:s2], [sflag:$0x2] =	stream.linear.gather [hbm4b:s9+s2], $0x80, $0x38;
	[tilespmem:$0x4080] =	vst v63  }
0x74: {  	_ =	swait.ge [sflag:s3], $0x80  }
0x75: {  	[sflag:s3] =	ssyncset.done $0x0  }
0x76: {  	[sflag:s3] =	ssyncadd.s32 $0xFFFFFF80  }
0x77: {  	[tilespmem:s6], [sflag:$0x1] =	stream.indirect.gather [hbm4b:s5+s6], $0x80, s2, s6, $0xb8;
	[tilespmem:$0x4080] =	vst v63  }
0x78: {  	_ =	swait.ge [sflag:s7], $0x4000  }
0x79: {  	[sflag:s7] =	ssyncset.done $0x0  }
0x7a: {  	[sflag:s7] =	ssyncadd.s32 $0xFFFFC000  }
0x7b: {  	[hbm4b:s10+s2] =	stream.linear.scatter [tilespmem:s6], [sflag:$0x2], $0x4000, $0x38;
	[tilespmem:$0x4080] =	vst v63  }
0x7c: {  	_ =	swait.ge [sflag:s3], $0x4000  }
0x7d: {  	[sflag:s3] =	ssyncset.done $0x0  }
0x7e: {  	[sflag:s3] =	ssyncadd.s32 $0xFFFFC000  }
0x7f: {  	[tilespmem:s2], [sflag:$0x2] =	stream.linear.gather [hbm4b:s11+s2], $0x80, $0x38;
	[tilespmem:$0x4080] =	vst v63  }
0x80: {  	_ =	swait.ge [sflag:s3], $0x80  }
0x81: {  	[sflag:s3] =	ssyncset.done $0x0  }
0x82: {  	[sflag:s3] =	ssyncadd.s32 $0xFFFFFF80  }
0x83: {  	[tilespmem:s6], [sflag:$0x1] =	stream.indirect.gather [hbm4b:s5+s6], $0x80, s2, s6, $0xb8;
	[tilespmem:$0x4080] =	vst v63  }
0x84: {  	_ =	swait.ge [sflag:s7], $0x4000  }
0x85: {  	[sflag:s7] =	ssyncset.done $0x0  }
0x86: {  	[sflag:s7] =	ssyncadd.s32 $0xFFFFC000  }
0x87: {  	[hbm4b:s12+s2] =	stream.linear.scatter [tilespmem:s6], [sflag:$0x2], $0x4000, $0x38;
	[tilespmem:$0x4080] =	vst v63  }
0x88: {  	_ =	swait.ge [sflag:s3], $0x4000  }
0x89: {  	[sflag:s3] =	ssyncset.done $0x0  }
0x8a: {  	[sflag:s3] =	ssyncadd.s32 $0xFFFFC000  }
0x8b: {  	[tilespmem:s2], [sflag:$0x2] =	stream.linear.gather [hbm4b:s13+s2], $0x80, $0x38;
	[tilespmem:$0x4080] =	vst v63  }
0x8c: {  	_ =	swait.ge [sflag:s3], $0x80  }
0x8d: {  	[sflag:s3] =	ssyncset.done $0x0  }
0x8e: {  	[sflag:s3] =	ssyncadd.s32 $0xFFFFFF80  }
0x8f: {  	[tilespmem:s6], [sflag:$0x1] =	stream.indirect.gather [hbm4b:s5+s6], $0x80, s2, s6, $0xb8;
	[tilespmem:$0x4080] =	vst v63  }
0x90: {  	_ =	swait.ge [sflag:s7], $0x4000  }
0x91: {  	[sflag:s7] =	ssyncset.done $0x0  }
0x92: {  	[sflag:s7] =	ssyncadd.s32 $0xFFFFC000  }
0x93: {  	[hbm4b:s14+s2] =	stream.linear.scatter [tilespmem:s6], [sflag:$0x2], $0x4000, $0x38;
	[tilespmem:$0x4080] =	vst v63  }
0x94: {  	_ =	swait.ge [sflag:s3], $0x4000  }
0x95: {  	[sflag:s3] =	ssyncset.done $0x0  }
0x96: {  	[sflag:s3] =	ssyncadd.s32 $0xFFFFC000  }
0x97: {  	[tilespmem:s2], [sflag:$0x2] =	stream.linear.gather [hbm4b:s15+s2], $0x80, $0x38;
	[tilespmem:$0x4080] =	vst v63  }
0x98: {  	_ =	swait.ge [sflag:s3], $0x80  }
0x99: {  	[sflag:s3] =	ssyncset.done $0x0  }
0x9a: {  	[sflag:s3] =	ssyncadd.s32 $0xFFFFFF80  }
0x9b: {  	[tilespmem:s6], [sflag:$0x1] =	stream.indirect.gather [hbm4b:s5+s6], $0x80, s2, s6, $0xb8;
	[tilespmem:$0x4080] =	vst v63  }
0x9c: {  	_ =	swait.ge [sflag:s7], $0x4000  }
0x9d: {  	[sflag:s7] =	ssyncset.done $0x0  }
0x9e: {  	[sflag:s7] =	ssyncadd.s32 $0xFFFFC000  }
0x9f: {  	[hbm4b:s16+s2] =	stream.linear.scatter [tilespmem:s6], [sflag:$0x2], $0x4000, $0x38;
	[tilespmem:$0x4080] =	vst v63  }
0xa0: {  	_ =	swait.ge [sflag:s3], $0x4000  }
0xa1: {  	[sflag:s3] =	ssyncset.done $0x0  }
0xa2: {  	[sflag:s3] =	ssyncadd.s32 $0xFFFFC000  }
0xa3: {  	[tilespmem:s2], [sflag:$0x2] =	stream.linear.gather [hbm4b:s17+s2], $0x80, $0x38;
	[tilespmem:$0x4080] =	vst v63  }
0xa4: {  	_ =	swait.ge [sflag:s3], $0x80  }
0xa5: {  	[sflag:s3] =	ssyncset.done $0x0  }
0xa6: {  	[sflag:s3] =	ssyncadd.s32 $0xFFFFFF80  }
0xa7: {  	[tilespmem:s6], [sflag:$0x1] =	stream.indirect.gather [hbm4b:s5+s6], $0x80, s2, s6, $0xb8;
	[tilespmem:$0x4080] =	vst v63  }
0xa8: {  	_ =	swait.ge [sflag:s7], $0x4000  }
0xa9: {  	[sflag:s7] =	ssyncset.done $0x0  }
0xaa: {  	[sflag:s7] =	ssyncadd.s32 $0xFFFFC000  }
0xab: {  	[hbm4b:s18+s2] =	stream.linear.scatter [tilespmem:s6], [sflag:$0x2], $0x4000, $0x38;
	[tilespmem:$0x4080] =	vst v63  }
0xac: {  	_ =	swait.ge [sflag:s3], $0x4000  }
0xad: {  	[sflag:s3] =	ssyncset.done $0x0  }
0xae: {  	[sflag:s3] =	ssyncadd.s32 $0xFFFFC000  }
0xaf: {  	[tilespmem:s2], [sflag:$0x2] =	stream.linear.gather [hbm4b:s19+s2], $0x80, $0x38;
	[tilespmem:$0x4080] =	vst v63  }
0xb0: {  	_ =	swait.ge [sflag:s3], $0x80  }
0xb1: {  	[sflag:s3] =	ssyncset.done $0x0  }
0xb2: {  	[sflag:s3] =	ssyncadd.s32 $0xFFFFFF80  }
0xb3: {  	[tilespmem:s6], [sflag:$0x1] =	stream.indirect.gather [hbm4b:s5+s6], $0x80, s2, s6, $0xb8;
	[tilespmem:$0x4080] =	vst v63  }
0xb4: {  	_ =	swait.ge [sflag:s7], $0x4000  }
0xb5: {  	[sflag:s7] =	ssyncset.done $0x0  }
0xb6: {  	[sflag:s7] =	ssyncadd.s32 $0xFFFFC000  }
0xb7: {  	[hbm4b:s20+s2] =	stream.linear.scatter [tilespmem:s6], [sflag:$0x2], $0x4000, $0x38;
	[tilespmem:$0x4080] =	vst v63  }
0xb8: {  	_ =	swait.ge [sflag:s3], $0x4000  }
0xb9: {  	[sflag:s3] =	ssyncset.done $0x0  }
0xba: {  	[sflag:s3] =	ssyncadd.s32 $0xFFFFC000  }
0xbb: {  	[tilespmem:s2], [sflag:$0x2] =	stream.linear.gather [hbm4b:s21+s2], $0x80, $0x38;
	[tilespmem:$0x4080] =	vst v63  }
0xbc: {  	_ =	swait.ge [sflag:s3], $0x80  }
0xbd: {  	[sflag:s3] =	ssyncset.done $0x0  }
0xbe: {  	[sflag:s3] =	ssyncadd.s32 $0xFFFFFF80  }
0xbf: {  	[tilespmem:s6], [sflag:$0x1] =	stream.indirect.gather [hbm4b:s5+s6], $0x80, s2, s6, $0xb8;
	[tilespmem:$0x4080] =	vst v63  }
0xc0: {  	_ =	swait.ge [sflag:s7], $0x4000  }
.Ltmp1:
0xc1: {  	[sflag:s7] =	ssyncset.done $0x0;
	(pc) =	sbr.rel @p0 .LBB2_1-.Ltmp1, $4  }
0xc2: {  	[sflag:s7] =	ssyncadd.s32 $0xFFFFC000  }
0xc3: {  	[hbm4b:s22+s2] =	stream.linear.scatter [tilespmem:s6], [sflag:$0x2], $0x4000, $0x38;
	[tilespmem:$0x4080] =	vst v63  }
0xc4: {  	_ =	swait.ge [sflag:s3], $0x4000  }
0xc5: {  	[sflag:s3] =	ssyncset.done $0x0  }
.LBB2_2:
0xc6: {  	[sflag:s3] =	ssyncadd.s32 $0xFFFFC000  }
0xc7: {  	_ =	sfence.sel $0x180000  }
0xc8: {  	[bflag:$0x0] =	sbarrier.arrive $0xFFFF  }
0xc9: {  	p0 =	sne.s32 s0, $0x0;
	_ =	strace $0x9000004A  }
0xca: {  	s0 =	sadd.s32 @!p0 $0x100000, s1;
	[bflag:$0x2] =	sbarrier.arrive $0xFFFF  }
0xcb: {  	[sflag:s0] =	ssyncadd.tile.s32 @!p0 $0x1;
	_ =	shalt  }
.Lfunc_end2:
_tile_overlayer_lowered:
.L_overlay_start_2:
0xcc: {  	(tag) =	ssettag $0x2  }
0xcd: {  	s0 =	rddreg [dreg:$0x0];
	s2 =	stileid.u32  }
0xce: {  	s1 =	rddreg [dreg:$0x1];
	p0 =	sne.s32 s2, $0x0  }
0xcf: {  	s3 =	rddreg [dreg:$0x2];
	[bflag:$0x3] =	sbarrier.arrive $0xFFFF;
	s2 =	simm.s32 @!p0 $0x1C02  }
0xd0: {  	[timem:s3], [sflag:s2] =	dma.local @!p0 [hbm:s0], s1  }
0xd1: {  	s0 =	simm.s32 @!p0 $0x2  }
0xd2: {  	_ =	swait.ge @!p0 [sflag:s0], s1  }
0xd3: {  	s1 =	ssub.s32 @!p0 $0x0, s1;
	[sflag:s0] =	ssyncset.done @!p0 $0x0  }
0xd4: {  	[sflag:s0] =	ssyncadd.s32 @!p0 s1  }
0xd5: {  	[bflag:$0x3] =	sbarrier.arrive $0xFFFF  }
0xd6: {  	_ =	shalt  }

// kernel: kernel.13.cloned.1.call-start
scs
__scs_entry_jumppad:
0x0: {  	(pc) =	sbr.rel $0x88, $3  }
0x1: {  	(tag) =	ssettag $0x0;
	lr =	simm.s32 $0x1  }
0x2: {  	[smem:$0x3F9C] =	sst lr;
	_ =	strace $0xD0000000  }
0x3: {  	_ = 	snop  }
0x4: {  	_ = 	snop  }
0x5: {  	_ = 	snop  }
0x6: {  	_ = 	snop  }
0x7: {  	_ = 	snop  }
__scs_overlays_trampoline_lowered:
0x8: {  	[smem:$0x3FAB] =	sst s0  }
0x9: {  	[smem:$0x3FAC] =	sst s1  }
0xa: {  	[smem:$0x3FAD] =	sst s2  }
0xb: {  	[smem:$0x3FAE] =	sst s3  }
0xc: {  	[smem:$0x3FAF] =	sst s4  }
0xd: {  	[smem:$0x3FB0] =	sst s5  }
0xe: {  	[smem:$0x3FB1] =	sst s6  }
0xf: {  	[smem:$0x3FB2] =	sst s7  }
0x10: {  	[smem:$0x3FB3] =	sst s8  }
0x11: {  	[smem:$0x3FB4] =	sst s9;
	s0 =	simm.s32 @!p0 $0x0  }
0x12: {  	s1 =	sld [smem:$0x3F9A];
	s0 =	simm.s32 @p0 $0x1  }
0x13: {  	[smem:$0x3FB5] =	sst s0;
	s0 =	simm.s32 @!p1 $0x0  }
0x14: {  	s2 =	sld [smem:$0x3F99];
	s0 =	simm.s32 @p1 $0x1  }
0x15: {  	[smem:$0x3FB6] =	sst s0;
	s0 =	simm.s32 @!p2 $0x0  }
0x16: {  	s3 =	sld [smem:$0x3FDB];
	s0 =	simm.s32 @p2 $0x1  }
0x17: {  	s4 =	simm.s32 $0x1BF5;
	[smem:$0x3FB8] =	sst s0  }
0x18: {  	s0 =	sld [smem:$0x3F9B];
	_ =	swait.ge [sflag:s4], $0x0  }
0x19: {  	s7 =	sld [smem:$0x3F9C]  }
0x1a: {  	s8 =	sadd.s32 $0xFFFFE003, lr  }
0x1b: {  	s9 =	sadd.s32 $0xFFFFFEF7, lr;
	s5 =	simm.s32 $0xFFFFFFFF;
	p2 =	slt.u32 s8, $0xFFFFF086  }
0x1c: {  	p1 =	slt.u32 s9, $0xF7A;
	s5 =	simm.s32 @!p2 $0x0  }
0x1d: {  	s5 =	simm.s32 @p1 $0x1;
	p0 =	seq.s32 s7, s2  }
0x1e: {  	s7 =	smul.u32 @!p0 $0xF7A, s2;
	p2 =	seq.s32 @!p0 s5, $0x0  }
0x1f: {  	s9 =	smul.u32 $0xF7A, s1;
	s8 =	simm.s32 @!p0 $0x1BF5;
	p2 =	por !p2, p0  }
0x20: {  	[sflag:s8] =	ssyncset.s32 @!p0 $0xFFFFF086;
	s6 =	sadd.s32 @!p0 s3, s7;
	s7 =	simm.s32 @!p0 $0x108  }
0x21: {  	s3 =	sadd.s32 s3, s9;
	s6 =	sadd.s32 @!p0 $0x88, s6;
	s7 =	simm.s32 @p2 $0x1082  }
0x22: {  	[simem:s7], [sflag:s8] =	dma.local @!p0 [hbm:s6], $0xF7A  }
0x23: {  	s9 =	sor.u32 $0xD0000000, s2;
	s6 =	simm.s32 $0x108;
	_ =	swait.ge @!p0 [sflag:s8], $0x0  }
0x24: {  	s3 =	sadd.s32 $0x88, s3;
	s6 =	simm.s32 @!p1 $0x1082;
	[sflag:s4] =	ssyncset.s32 $0xFFFFF086  }
0x25: {  	[simem:s6], [sflag:s4] =	dma.local [hbm:s3], $0xF7A  }
0x26: {  	[smem:$0x3F9C] =	sst s1;
	(tag) =	ssettag s2;
	_ =	strace s9  }
0x27: {  	s1 =	sld [smem:$0x3FAC]  }
0x28: {  	s2 =	sld [smem:$0x3FAD]  }
0x29: {  	s4 =	sld [smem:$0x3FAF]  }
0x2a: {  	p0 =	seq.s32 s5, $0x0;
	s5 =	sld [smem:$0x3FB0]  }
0x2b: {  	s6 =	sld [smem:$0x3FB1]  }
0x2c: {  	s7 =	sld [smem:$0x3FB2]  }
0x2d: {  	s3 =	simm.s32 $0x108;
	s8 =	sld [smem:$0x3FB3]  }
0x2e: {  	s3 =	simm.s32 @!p0 $0x1082;
	s9 =	sld [smem:$0x3FB4]  }
0x2f: {  	lr =	sadd.s32 s0, s3;
	s0 =	sld [smem:$0x3FAB]  }
0x30: {  	s3 =	sld [smem:$0x3FAE]  }
0x31: {  	[smem:$0x3FB7] =	sst s10  }
0x32: {  	s10 =	sld [smem:$0x3FB5];
	_ =	sdelay $0x3  }
0x33: {  	p0 =	seq.s32 s10, $0x1;
	s10 =	sld [smem:$0x3FB7];
	_ =	sdelay $0x3  }
0x34: {  	[smem:$0x3FB7] =	sst s10  }
0x35: {  	s10 =	sld [smem:$0x3FB6];
	_ =	sdelay $0x3  }
0x36: {  	p1 =	seq.s32 s10, $0x1;
	s10 =	sld [smem:$0x3FB7];
	_ =	sdelay $0x3  }
0x37: {  	[smem:$0x3FB7] =	sst s10  }
0x38: {  	s10 =	sld [smem:$0x3FB8]  }
0x39: {  	_ = 	snop;
	(pc) =	sbr.ind lr, $3  }
0x3a: {  	_ = 	snop  }
0x3b: {  	_ = 	snop  }
0x3c: {  	p2 =	seq.s32 s10, $0x1;
	s10 =	sld [smem:$0x3FB7]  }
0x3d: {  	_ =	shalt  }
0x3e: {  	_ =	shalt  }
0x3f: {  	_ =	shalt  }
0x40: {  	_ =	shalt  }
0x41: {  	_ =	shalt  }
0x42: {  	_ =	shalt  }
0x43: {  	_ =	shalt  }
0x44: {  	_ =	shalt  }
0x45: {  	_ =	shalt  }
0x46: {  	_ =	shalt  }
0x47: {  	_ =	shalt  }
0x48: {  	_ =	shalt  }
0x49: {  	_ =	shalt  }
0x4a: {  	_ =	shalt  }
0x4b: {  	_ =	shalt  }
0x4c: {  	_ =	shalt  }
0x4d: {  	_ =	shalt  }
0x4e: {  	_ =	shalt  }
0x4f: {  	_ =	shalt  }
0x50: {  	_ =	shalt  }
0x51: {  	_ =	shalt  }
0x52: {  	_ =	shalt  }
0x53: {  	_ =	shalt  }
0x54: {  	_ =	shalt  }
0x55: {  	_ =	shalt  }
0x56: {  	_ =	shalt  }
0x57: {  	_ =	shalt  }
0x58: {  	_ =	shalt  }
0x59: {  	_ =	shalt  }
0x5a: {  	_ =	shalt  }
0x5b: {  	_ =	shalt  }
0x5c: {  	_ =	shalt  }
0x5d: {  	_ =	shalt  }
0x5e: {  	_ =	shalt  }
0x5f: {  	_ =	shalt  }
0x60: {  	_ =	shalt  }
0x61: {  	_ =	shalt  }
0x62: {  	_ =	shalt  }
0x63: {  	_ =	shalt  }
0x64: {  	_ =	shalt  }
0x65: {  	_ =	shalt  }
0x66: {  	_ =	shalt  }
0x67: {  	_ =	shalt  }
0x68: {  	_ =	shalt  }
0x69: {  	_ =	shalt  }
0x6a: {  	_ =	shalt  }
0x6b: {  	_ =	shalt  }
0x6c: {  	_ =	shalt  }
0x6d: {  	_ =	shalt  }
0x6e: {  	_ =	shalt  }
0x6f: {  	_ =	shalt  }
0x70: {  	_ =	shalt  }
0x71: {  	_ =	shalt  }
0x72: {  	_ =	shalt  }
0x73: {  	_ =	shalt  }
0x74: {  	_ =	shalt  }
0x75: {  	_ =	shalt  }
0x76: {  	_ =	shalt  }
0x77: {  	_ =	shalt  }
0x78: {  	_ =	shalt  }
0x79: {  	_ =	shalt  }
0x7a: {  	_ =	shalt  }
0x7b: {  	_ =	shalt  }
0x7c: {  	_ =	shalt  }
0x7d: {  	_ =	shalt  }
0x7e: {  	_ =	shalt  }
0x7f: {  	_ =	shalt  }
0x80: {  	_ =	shalt  }
0x81: {  	_ =	shalt  }
0x82: {  	_ =	shalt  }
0x83: {  	_ =	shalt  }
0x84: {  	_ =	shalt  }
0x85: {  	_ =	shalt  }
0x86: {  	_ =	shalt  }
0x87: {  	_ =	shalt  }
.Lfunc_end0:
.L_simem_size_0:
called_computation.1_lowered:
.L_overlay_start_0:
0x88: {  	s2 =	sld [smem:$0x3FD9]  }
0x89: {  	s3 =	sld [smem:$0x3FFE];
	_ =	sdelay $0x1  }
0x8a: {  	s1 =	srdreg.scid  }
0x8b: {  	s0 =	sand.u32 $0x1, s1  }
0x8c: {  	s16 =	sshll.u32 s0, $0xA;
	s2 =	sadd.s32 s3, s2  }
0x8d: {  	s2 =	sadd.s32 s2, s16  }
0x8e: {  	[smem:$0x3FC3] =	sst s2  }
0x8f: {  	_ = 	snop  }
0x90: {  	(tm) =	ssettm $0x1  }
0x91: {  	s17 =	sld [smem:$0x3FFB];
	_ =	sdelay $0x3  }
0x92: {  	_ =	strace s17  }
0x93: {  	s2 =	sld [smem:$0x3FFC];
	_ =	sdelay $0x3  }
0x94: {  	_ =	strace s2  }
0x95: {  	s2 =	sld [smem:$0x3FFD];
	_ =	sdelay $0x3  }
0x96: {  	_ =	strace s2  }
0x97: {  	_ =	strace $0x8FFFFFFF  }
0x98: {  	s18 =	sld [smem:$0x3FDB];
	_ =	sdelay $0x1  }
0x99: {  	s19 =	simm.s32 $_scs_section_size  }
0x9a: {  	s4 =	simm.s32 $_size__tile_overlayer_lowered;
	s5 =	simm.s32 $_tile_overlayer_lowered  }
0x9b: {  	s22 =	simm.s32 $0x1BFF;
	s21 =	sshll.u32 s5, $0x1;
	s2 =	sadd.s32 s19, s18  }
0x9c: {  	s6 =	simm.s32 $0x0;
	s20 =	sshll.u32 s4, $0x1;
	s4 =	sadd.s32 s21, s2  }
0x9d: {  	[timem:s6], [sflag:s22] =	dma.local [hbm:s4], s20  }
0x9e: {  	_ =	swait.ge [sflag:s22], s20  }
0x9f: {  	s3 =	ssub.s32 $0x0, s20;
	[sflag:s22] =	ssyncset.done $0x0  }
0xa0: {  	[sflag:s22] =	ssyncadd.s32 s3;
	_ =	sdelay $0x1  }
0xa1: {  	s23 =	simm.s32 $0x1B8B  }
0xa2: {  	_ =	swait.ge [sflag:s23], $0x1  }
0xa3: {  	[sflag:s23] =	ssyncset.done $0x0  }
0xa4: {  	s25 =	simm.s32 $0x1B8E;
	s24 =	sld [smem:$0x3FFE];
	[sflag:s23] =	ssyncadd.s32 $0xFFFFFFFF  }
0xa5: {  	s26 =	simm.s32 $execute0_lowered;
	[smem:$0x3FD2] =	sst s25  }
0xa6: {  	s4 =	sshll.u32 s26, $0x1;
	_ =	strace $0x80000046;
	[dreg:$0x1] =	wrdreg $0xFFFFFFFF  }
0xa7: {  	s28 =	simm.s32 $_size_execute0_lowered;
	s2 =	sadd.s32 s2, s4;
	[dreg:$0x0] =	wrdreg $0x0  }
0xa8: {  	s4 =	sshll.u32 s28, $0x1;
	[dreg:$0x2] =	wrdreg s2  }
0xa9: {  	[dreg:$0x3] =	wrdreg s4  }
0xaa: {  	[dreg:$0x4] =	wrdreg $0xC0  }
0xab: {  	_ =	task [dreg:s6], $0x5FFFF  }
0xac: {  	[dreg:$0x1] =	wrdreg $0xFFFFFFFF  }
0xad: {  	[dreg:$0x0] =	wrdreg $0x60  }
0xae: {  	[dreg:$0x2] =	wrdreg s24  }
0xaf: {  	[dreg:$0x3] =	wrdreg $0xA  }
0xb0: {  	_ =	task.clear_ibuf [dreg:s6], $0x4FFFF;
	_ =	strace $0x90000046  }
0xb1: {  	s29 =	simm.s32 $0xA;
	_ =	strace $0x80000048  }
0xb2: {  	_ =	swait.ge [sflag:s29], $0x1  }
0xb3: {  	[sflag:s29] =	ssyncadd.s32 $0xFFFFFFFF  }
0xb4: {  	_ =	strace $0x90000048  }
0xb5: {  	_ =	sfence  }
0xb6: {  	s30 =	sld [smem:$0x0];
	_ =	sdelay $0x2  }
0xb7: {  	s31 =	sshll.u32 s1, $0xD;
	s1 =	sshrl.u32 s1, $0x2  }
0xb8: {  	s3 =	sand.u32 $0x4000, s31;
	s1 =	sadd.s32 s1, s30  }
0xb9: {  	s0 =	sor.u32 s3, s0;
	s1 =	sshll.u32 s1, $0x11  }
0xba: {  	s0 =	sor.u32 s1, s0  }
0xbb: {  	s0 =	sadd.s32 $0x8F2B, s0  }
0xbc: {  	[sflag:s0] =	ssyncadd.remote.s32 $0x1  }
0xbd: {  	_ =	sfence.sel $0xFFFF  }
0xbe: {  	[dreg:$0x0] =	wrdreg $0xFFFFFFFF;
	(pc) =	sbr.abs _section_cstart, $3  }
0xbf: {  	[dreg:$0x1] =	wrdreg $0xFFFFFFFF  }
0xc0: {  	_ =	task.clear_ibuf [dreg:s6], $0x2FFFF;
	_ =	strace $0x9FFFFFFF  }
0xc1: {  	(tm) =	ssettm $0x7FFFFFFF  }
tec
execute0_lowered:
.L_overlay_start_1:
0x0: {  	(tag) =	ssettag $0x1  }
0x1: {  	s1 =	srdreg.scid  }
0x2: {  	s0 =	stileid.u32;
	s22 =	sand.u32 $0x1, s1  }
0x3: {  	s8 =	rddreg [dreg:$0x0];
	s3 =	sshll.u32 s0, $0xB;
	s4 =	sshll.u32 s22, $0xA  }
0x4: {  	s2 =	simm.s32 $0x0;
	s1 =	rddreg [dreg:$0x1];
	s24 =	sor.u32 s4, s3  }
0x5: {  	[smem:$0x7FF] =	sst s2;
	s21 =	sadd.s32 $0x3400, s8;
	s3 =	sshrl.u32 s24, $0x3  }
0x6: {  	_ =	strace $0x80000047;
	s4 =	sadd.s32 s21, s3;
	s3 =	simm.s32 $0x2  }
0x7: {  	[tilespmem:s2], [sflag:$0x2] =	stream.linear.gather [hbm4b:s4+s2], $0x80, $0x38;
	[tilespmem:$0x4080] =	vst v63  }
0x8: {  	_ =	swait.ge [sflag:s3], $0x80  }
0x9: {  	s6 =	simm.s32 $0x80;
	[sflag:s3] =	ssyncset.done $0x0  }
0xa: {  	s7 =	simm.s32 $0x1;
	s5 =	sadd.s32 $0x4400, s8;
	[sflag:s3] =	ssyncadd.s32 $0xFFFFFF80  }
0xb: {  	[tilespmem:s6], [sflag:$0x1] =	stream.indirect.gather [hbm4b:s5+s6], $0x80, s2, s6, $0xb8;
	[tilespmem:$0x4080] =	vst v63  }
0xc: {  	_ =	swait.ge [sflag:s7], $0x4000  }
0xd: {  	s23 =	sadd.s32 $0x118600, s8;
	s28 =	sshll.u32 s24, $0x4;
	[sflag:s7] =	ssyncset.done $0x0  }
0xe: {  	s8 =	sadd.s32 s23, s28;
	[sflag:s7] =	ssyncadd.s32 $0xFFFFC000  }
0xf: {  	[hbm4b:s8+s2] =	stream.linear.scatter [tilespmem:s6], [sflag:$0x2], $0x4000, $0x38;
	[tilespmem:$0x4080] =	vst v63  }
0x10: {  	s10 =	sor.u32 $0x80, s24;
	_ =	swait.ge [sflag:s3], $0x4000  }
0x11: {  	s9 =	sshrl.u32 s10, $0x3;
	[sflag:s3] =	ssyncset.done $0x0  }
0x12: {  	s9 =	sadd.s32 s21, s9;
	[sflag:s3] =	ssyncadd.s32 $0xFFFFC000  }
0x13: {  	[tilespmem:s2], [sflag:$0x2] =	stream.linear.gather [hbm4b:s9+s2], $0x80, $0x38;
	[tilespmem:$0x4080] =	vst v63  }
0x14: {  	_ =	swait.ge [sflag:s3], $0x80  }
0x15: {  	[sflag:s3] =	ssyncset.done $0x0  }
0x16: {  	[sflag:s3] =	ssyncadd.s32 $0xFFFFFF80  }
0x17: {  	[tilespmem:s6], [sflag:$0x1] =	stream.indirect.gather [hbm4b:s5+s6], $0x80, s2, s6, $0xb8;
	[tilespmem:$0x4080] =	vst v63  }
0x18: {  	_ =	swait.ge [sflag:s7], $0x4000  }
0x19: {  	s10 =	sshll.u32 s10, $0x4;
	[sflag:s7] =	ssyncset.done $0x0  }
0x1a: {  	s10 =	sadd.s32 s23, s10;
	[sflag:s7] =	ssyncadd.s32 $0xFFFFC000  }
0x1b: {  	[hbm4b:s10+s2] =	stream.linear.scatter [tilespmem:s6], [sflag:$0x2], $0x4000, $0x38;
	[tilespmem:$0x4080] =	vst v63  }
0x1c: {  	s12 =	sor.u32 $0x100, s24;
	_ =	swait.ge [sflag:s3], $0x4000  }
0x1d: {  	s11 =	sshrl.u32 s12, $0x3;
	[sflag:s3] =	ssyncset.done $0x0  }
0x1e: {  	s11 =	sadd.s32 s21, s11;
	[sflag:s3] =	ssyncadd.s32 $0xFFFFC000  }
0x1f: {  	[tilespmem:s2], [sflag:$0x2] =	stream.linear.gather [hbm4b:s11+s2], $0x80, $0x38;
	[tilespmem:$0x4080] =	vst v63  }
0x20: {  	_ =	swait.ge [sflag:s3], $0x80  }
0x21: {  	[sflag:s3] =	ssyncset.done $0x0  }
0x22: {  	[sflag:s3] =	ssyncadd.s32 $0xFFFFFF80  }
0x23: {  	[tilespmem:s6], [sflag:$0x1] =	stream.indirect.gather [hbm4b:s5+s6], $0x80, s2, s6, $0xb8;
	[tilespmem:$0x4080] =	vst v63  }
0x24: {  	_ =	swait.ge [sflag:s7], $0x4000  }
0x25: {  	s12 =	sshll.u32 s12, $0x4;
	[sflag:s7] =	ssyncset.done $0x0  }
0x26: {  	s12 =	sadd.s32 s23, s12;
	[sflag:s7] =	ssyncadd.s32 $0xFFFFC000  }
0x27: {  	[hbm4b:s12+s2] =	stream.linear.scatter [tilespmem:s6], [sflag:$0x2], $0x4000, $0x38;
	[tilespmem:$0x4080] =	vst v63  }
0x28: {  	s14 =	sor.u32 $0x180, s24;
	_ =	swait.ge [sflag:s3], $0x4000  }
0x29: {  	s13 =	sshrl.u32 s14, $0x3;
	[sflag:s3] =	ssyncset.done $0x0  }
0x2a: {  	s13 =	sadd.s32 s21, s13;
	[sflag:s3] =	ssyncadd.s32 $0xFFFFC000  }
0x2b: {  	[tilespmem:s2], [sflag:$0x2] =	stream.linear.gather [hbm4b:s13+s2], $0x80, $0x38;
	[tilespmem:$0x4080] =	vst v63  }
0x2c: {  	_ =	swait.ge [sflag:s3], $0x80  }
0x2d: {  	[sflag:s3] =	ssyncset.done $0x0  }
0x2e: {  	[sflag:s3] =	ssyncadd.s32 $0xFFFFFF80  }
0x2f: {  	[tilespmem:s6], [sflag:$0x1] =	stream.indirect.gather [hbm4b:s5+s6], $0x80, s2, s6, $0xb8;
	[tilespmem:$0x4080] =	vst v63  }
0x30: {  	_ =	swait.ge [sflag:s7], $0x4000  }
0x31: {  	s14 =	sshll.u32 s14, $0x4;
	[sflag:s7] =	ssyncset.done $0x0  }
0x32: {  	s14 =	sadd.s32 s23, s14;
	[sflag:s7] =	ssyncadd.s32 $0xFFFFC000  }
0x33: {  	[hbm4b:s14+s2] =	stream.linear.scatter [tilespmem:s6], [sflag:$0x2], $0x4000, $0x38;
	[tilespmem:$0x4080] =	vst v63  }
0x34: {  	s16 =	sor.u32 $0x200, s24;
	_ =	swait.ge [sflag:s3], $0x4000  }
0x35: {  	s15 =	sshrl.u32 s16, $0x3;
	[sflag:s3] =	ssyncset.done $0x0  }
0x36: {  	s15 =	sadd.s32 s21, s15;
	[sflag:s3] =	ssyncadd.s32 $0xFFFFC000  }
0x37: {  	[tilespmem:s2], [sflag:$0x2] =	stream.linear.gather [hbm4b:s15+s2], $0x80, $0x38;
	[tilespmem:$0x4080] =	vst v63  }
0x38: {  	_ =	swait.ge [sflag:s3], $0x80  }
0x39: {  	[sflag:s3] =	ssyncset.done $0x0  }
0x3a: {  	[sflag:s3] =	ssyncadd.s32 $0xFFFFFF80  }
0x3b: {  	[tilespmem:s6], [sflag:$0x1] =	stream.indirect.gather [hbm4b:s5+s6], $0x80, s2, s6, $0xb8;
	[tilespmem:$0x4080] =	vst v63  }
0x3c: {  	_ =	swait.ge [sflag:s7], $0x4000  }
0x3d: {  	s16 =	sshll.u32 s16, $0x4;
	[sflag:s7] =	ssyncset.done $0x0  }
0x3e: {  	s16 =	sadd.s32 s23, s16;
	[sflag:s7] =	ssyncadd.s32 $0xFFFFC000  }
0x3f: {  	[hbm4b:s16+s2] =	stream.linear.scatter [tilespmem:s6], [sflag:$0x2], $0x4000, $0x38;
	[tilespmem:$0x4080] =	vst v63  }
0x40: {  	s18 =	sor.u32 $0x280, s24;
	_ =	swait.ge [sflag:s3], $0x4000  }
0x41: {  	s17 =	sshrl.u32 s18, $0x3;
	[sflag:s3] =	ssyncset.done $0x0  }
0x42: {  	s17 =	sadd.s32 s21, s17;
	[sflag:s3] =	ssyncadd.s32 $0xFFFFC000  }
0x43: {  	[tilespmem:s2], [sflag:$0x2] =	stream.linear.gather [hbm4b:s17+s2], $0x80, $0x38;
	[tilespmem:$0x4080] =	vst v63  }
0x44: {  	_ =	swait.ge [sflag:s3], $0x80  }
0x45: {  	[sflag:s3] =	ssyncset.done $0x0  }
0x46: {  	[sflag:s3] =	ssyncadd.s32 $0xFFFFFF80  }
0x47: {  	[tilespmem:s6], [sflag:$0x1] =	stream.indirect.gather [hbm4b:s5+s6], $0x80, s2, s6, $0xb8;
	[tilespmem:$0x4080] =	vst v63  }
0x48: {  	_ =	swait.ge [sflag:s7], $0x4000  }
0x49: {  	s18 =	sshll.u32 s18, $0x4;
	[sflag:s7] =	ssyncset.done $0x0  }
0x4a: {  	s18 =	sadd.s32 s23, s18;
	[sflag:s7] =	ssyncadd.s32 $0xFFFFC000  }
0x4b: {  	[hbm4b:s18+s2] =	stream.linear.scatter [tilespmem:s6], [sflag:$0x2], $0x4000, $0x38;
	[tilespmem:$0x4080] =	vst v63  }
0x4c: {  	s20 =	sor.u32 $0x300, s24;
	_ =	swait.ge [sflag:s3], $0x4000  }
0x4d: {  	s19 =	sshrl.u32 s20, $0x3;
	[sflag:s3] =	ssyncset.done $0x0  }
0x4e: {  	s19 =	sadd.s32 s21, s19;
	[sflag:s3] =	ssyncadd.s32 $0xFFFFC000  }
0x4f: {  	[tilespmem:s2], [sflag:$0x2] =	stream.linear.gather [hbm4b:s19+s2], $0x80, $0x38;
	[tilespmem:$0x4080] =	vst v63  }
0x50: {  	_ =	swait.ge [sflag:s3], $0x80  }
0x51: {  	[sflag:s3] =	ssyncset.done $0x0  }
0x52: {  	[sflag:s3] =	ssyncadd.s32 $0xFFFFFF80  }
0x53: {  	[tilespmem:s6], [sflag:$0x1] =	stream.indirect.gather [hbm4b:s5+s6], $0x80, s2, s6, $0xb8;
	[tilespmem:$0x4080] =	vst v63  }
0x54: {  	_ =	swait.ge [sflag:s7], $0x4000  }
0x55: {  	s20 =	sshll.u32 s20, $0x4;
	[sflag:s7] =	ssyncset.done $0x0  }
0x56: {  	s20 =	sadd.s32 s23, s20;
	[sflag:s7] =	ssyncadd.s32 $0xFFFFC000  }
0x57: {  	[hbm4b:s20+s2] =	stream.linear.scatter [tilespmem:s6], [sflag:$0x2], $0x4000, $0x38;
	[tilespmem:$0x4080] =	vst v63  }
0x58: {  	s24 =	sor.u32 $0x380, s24;
	_ =	swait.ge [sflag:s3], $0x4000  }
0x59: {  	s25 =	sshrl.u32 s24, $0x3;
	[sflag:s3] =	ssyncset.done $0x0  }
0x5a: {  	s22 =	ssub.s32 $0x2, s22;
	s21 =	sadd.s32 s21, s25;
	[sflag:s3] =	ssyncadd.s32 $0xFFFFC000  }
0x5b: {  	[tilespmem:s2], [sflag:$0x2] =	stream.linear.gather [hbm4b:s21+s2], $0x80, $0x38;
	[tilespmem:$0x4080] =	vst v63  }
0x5c: {  	s29 =	sshrl.u32 s22, $0x1;
	_ =	swait.ge [sflag:s3], $0x80  }
0x5d: {  	s25 =	ssub.s32 s22, s29;
	[sflag:s3] =	ssyncset.done $0x0  }
0x5e: {  	s31 =	smax.u32 s25, $0x1;
	[sflag:s3] =	ssyncadd.s32 $0xFFFFFF80  }
0x5f: {  	[tilespmem:s6], [sflag:$0x1] =	stream.indirect.gather [hbm4b:s5+s6], $0x80, s2, s6, $0xb8;
	[tilespmem:$0x4080] =	vst v63  }
0x60: {  	p0 =	sne.s32 s31, $0x1;
	_ =	swait.ge [sflag:s7], $0x4000  }
.Ltmp0:
0x61: {  	s30 =	sshll.u32 s24, $0x4;
	[sflag:s7] =	ssyncset.done $0x0;
	(pc) =	sbr.rel @!p0 .LBB2_2-.Ltmp0, $4  }
0x62: {  	s22 =	sadd.s32 s23, s30;
	[sflag:s7] =	ssyncadd.s32 $0xFFFFC000  }
0x63: {  	[hbm4b:s22+s2] =	stream.linear.scatter [tilespmem:s6], [sflag:$0x2], $0x4000, $0x38;
	[tilespmem:$0x4080] =	vst v63  }
0x64: {  	_ =	swait.ge [sflag:s3], $0x4000  }
0x65: {  	s23 =	sadd.s32 $0xFFFFFFFF, s31;
	[sflag:s3] =	ssyncset.done $0x0  }
.LBB2_1:
0x66: {  	p0 =	sne.s32 s23, $0x1;
	s23 =	sadd.s32 $0xFFFFFFFF, s23;
	[sflag:s3] =	ssyncadd.s32 $0xFFFFC000  }
0x67: {  	[tilespmem:s2], [sflag:$0x2] =	stream.linear.gather [hbm4b:s4+s2], $0x80, $0x38;
	[tilespmem:$0x4080] =	vst v63  }
0x68: {  	_ =	swait.ge [sflag:s3], $0x80  }
0x69: {  	[sflag:s3] =	ssyncset.done $0x0  }
0x6a: {  	[sflag:s3] =	ssyncadd.s32 $0xFFFFFF80  }
0x6b: {  	[tilespmem:s6], [sflag:$0x1] =	stream.indirect.gather [hbm4b:s5+s6], $0x80, s2, s6, $0xb8;
	[tilespmem:$0x4080] =	vst v63  }
0x6c: {  	_ =	swait.ge [sflag:s7], $0x4000  }
0x6d: {  	[sflag:s7] =	ssyncset.done $0x0  }
0x6e: {  	[sflag:s7] =	ssyncadd.s32 $0xFFFFC000  }
0x6f: {  	[hbm4b:s8+s2] =	stream.linear.scatter [tilespmem:s6], [sflag:$0x2], $0x4000, $0x38;
	[tilespmem:$0x4080] =	vst v63  }
0x70: {  	_ =	swait.ge [sflag:s3], $0x4000  }
0x71: {  	[sflag:s3] =	ssyncset.done $0x0  }
0x72: {  	[sflag:s3] =	ssyncadd.s32 $0xFFFFC000  }
0x73: {  	[tilespmem:s2], [sflag:$0x2] =	stream.linear.gather [hbm4b:s9+s2], $0x80, $0x38;
	[tilespmem:$0x4080] =	vst v63  }
0x74: {  	_ =	swait.ge [sflag:s3], $0x80  }
0x75: {  	[sflag:s3] =	ssyncset.done $0x0  }
0x76: {  	[sflag:s3] =	ssyncadd.s32 $0xFFFFFF80  }
0x77: {  	[tilespmem:s6], [sflag:$0x1] =	stream.indirect.gather [hbm4b:s5+s6], $0x80, s2, s6, $0xb8;
	[tilespmem:$0x4080] =	vst v63  }
0x78: {  	_ =	swait.ge [sflag:s7], $0x4000  }
0x79: {  	[sflag:s7] =	ssyncset.done $0x0  }
0x7a: {  	[sflag:s7] =	ssyncadd.s32 $0xFFFFC000  }
0x7b: {  	[hbm4b:s10+s2] =	stream.linear.scatter [tilespmem:s6], [sflag:$0x2], $0x4000, $0x38;
	[tilespmem:$0x4080] =	vst v63  }
0x7c: {  	_ =	swait.ge [sflag:s3], $0x4000  }
0x7d: {  	[sflag:s3] =	ssyncset.done $0x0  }
0x7e: {  	[sflag:s3] =	ssyncadd.s32 $0xFFFFC000  }
0x7f: {  	[tilespmem:s2], [sflag:$0x2] =	stream.linear.gather [hbm4b:s11+s2], $0x80, $0x38;
	[tilespmem:$0x4080] =	vst v63  }
0x80: {  	_ =	swait.ge [sflag:s3], $0x80  }
0x81: {  	[sflag:s3] =	ssyncset.done $0x0  }
0x82: {  	[sflag:s3] =	ssyncadd.s32 $0xFFFFFF80  }
0x83: {  	[tilespmem:s6], [sflag:$0x1] =	stream.indirect.gather [hbm4b:s5+s6], $0x80, s2, s6, $0xb8;
	[tilespmem:$0x4080] =	vst v63  }
0x84: {  	_ =	swait.ge [sflag:s7], $0x4000  }
0x85: {  	[sflag:s7] =	ssyncset.done $0x0  }
0x86: {  	[sflag:s7] =	ssyncadd.s32 $0xFFFFC000  }
0x87: {  	[hbm4b:s12+s2] =	stream.linear.scatter [tilespmem:s6], [sflag:$0x2], $0x4000, $0x38;
	[tilespmem:$0x4080] =	vst v63  }
0x88: {  	_ =	swait.ge [sflag:s3], $0x4000  }
0x89: {  	[sflag:s3] =	ssyncset.done $0x0  }
0x8a: {  	[sflag:s3] =	ssyncadd.s32 $0xFFFFC000  }
0x8b: {  	[tilespmem:s2], [sflag:$0x2] =	stream.linear.gather [hbm4b:s13+s2], $0x80, $0x38;
	[tilespmem:$0x4080] =	vst v63  }
0x8c: {  	_ =	swait.ge [sflag:s3], $0x80  }
0x8d: {  	[sflag:s3] =	ssyncset.done $0x0  }
0x8e: {  	[sflag:s3] =	ssyncadd.s32 $0xFFFFFF80  }
0x8f: {  	[tilespmem:s6], [sflag:$0x1] =	stream.indirect.gather [hbm4b:s5+s6], $0x80, s2, s6, $0xb8;
	[tilespmem:$0x4080] =	vst v63  }
0x90: {  	_ =	swait.ge [sflag:s7], $0x4000  }
0x91: {  	[sflag:s7] =	ssyncset.done $0x0  }
0x92: {  	[sflag:s7] =	ssyncadd.s32 $0xFFFFC000  }
0x93: {  	[hbm4b:s14+s2] =	stream.linear.scatter [tilespmem:s6], [sflag:$0x2], $0x4000, $0x38;
	[tilespmem:$0x4080] =	vst v63  }
0x94: {  	_ =	swait.ge [sflag:s3], $0x4000  }
0x95: {  	[sflag:s3] =	ssyncset.done $0x0  }
0x96: {  	[sflag:s3] =	ssyncadd.s32 $0xFFFFC000  }
0x97: {  	[tilespmem:s2], [sflag:$0x2] =	stream.linear.gather [hbm4b:s15+s2], $0x80, $0x38;
	[tilespmem:$0x4080] =	vst v63  }
0x98: {  	_ =	swait.ge [sflag:s3], $0x80  }
0x99: {  	[sflag:s3] =	ssyncset.done $0x0  }
0x9a: {  	[sflag:s3] =	ssyncadd.s32 $0xFFFFFF80  }
0x9b: {  	[tilespmem:s6], [sflag:$0x1] =	stream.indirect.gather [hbm4b:s5+s6], $0x80, s2, s6, $0xb8;
	[tilespmem:$0x4080] =	vst v63  }
0x9c: {  	_ =	swait.ge [sflag:s7], $0x4000  }
0x9d: {  	[sflag:s7] =	ssyncset.done $0x0  }
0x9e: {  	[sflag:s7] =	ssyncadd.s32 $0xFFFFC000  }
0x9f: {  	[hbm4b:s16+s2] =	stream.linear.scatter [tilespmem:s6], [sflag:$0x2], $0x4000, $0x38;
	[tilespmem:$0x4080] =	vst v63  }
0xa0: {  	_ =	swait.ge [sflag:s3], $0x4000  }
0xa1: {  	[sflag:s3] =	ssyncset.done $0x0  }
0xa2: {  	[sflag:s3] =	ssyncadd.s32 $0xFFFFC000  }
0xa3: {  	[tilespmem:s2], [sflag:$0x2] =	stream.linear.gather [hbm4b:s17+s2], $0x80, $0x38;
	[tilespmem:$0x4080] =	vst v63  }
0xa4: {  	_ =	swait.ge [sflag:s3], $0x80  }
0xa5: {  	[sflag:s3] =	ssyncset.done $0x0  }
0xa6: {  	[sflag:s3] =	ssyncadd.s32 $0xFFFFFF80  }
0xa7: {  	[tilespmem:s6], [sflag:$0x1] =	stream.indirect.gather [hbm4b:s5+s6], $0x80, s2, s6, $0xb8;
	[tilespmem:$0x4080] =	vst v63  }
0xa8: {  	_ =	swait.ge [sflag:s7], $0x4000  }
0xa9: {  	[sflag:s7] =	ssyncset.done $0x0  }
0xaa: {  	[sflag:s7] =	ssyncadd.s32 $0xFFFFC000  }
0xab: {  	[hbm4b:s18+s2] =	stream.linear.scatter [tilespmem:s6], [sflag:$0x2], $0x4000, $0x38;
	[tilespmem:$0x4080] =	vst v63  }
0xac: {  	_ =	swait.ge [sflag:s3], $0x4000  }
0xad: {  	[sflag:s3] =	ssyncset.done $0x0  }
0xae: {  	[sflag:s3] =	ssyncadd.s32 $0xFFFFC000  }
0xaf: {  	[tilespmem:s2], [sflag:$0x2] =	stream.linear.gather [hbm4b:s19+s2], $0x80, $0x38;
	[tilespmem:$0x4080] =	vst v63  }
0xb0: {  	_ =	swait.ge [sflag:s3], $0x80  }
0xb1: {  	[sflag:s3] =	ssyncset.done $0x0  }
0xb2: {  	[sflag:s3] =	ssyncadd.s32 $0xFFFFFF80  }
0xb3: {  	[tilespmem:s6], [sflag:$0x1] =	stream.indirect.gather [hbm4b:s5+s6], $0x80, s2, s6, $0xb8;
	[tilespmem:$0x4080] =	vst v63  }
0xb4: {  	_ =	swait.ge [sflag:s7], $0x4000  }
0xb5: {  	[sflag:s7] =	ssyncset.done $0x0  }
0xb6: {  	[sflag:s7] =	ssyncadd.s32 $0xFFFFC000  }
0xb7: {  	[hbm4b:s20+s2] =	stream.linear.scatter [tilespmem:s6], [sflag:$0x2], $0x4000, $0x38;
	[tilespmem:$0x4080] =	vst v63  }
0xb8: {  	_ =	swait.ge [sflag:s3], $0x4000  }
0xb9: {  	[sflag:s3] =	ssyncset.done $0x0  }
0xba: {  	[sflag:s3] =	ssyncadd.s32 $0xFFFFC000  }
0xbb: {  	[tilespmem:s2], [sflag:$0x2] =	stream.linear.gather [hbm4b:s21+s2], $0x80, $0x38;
	[tilespmem:$0x4080] =	vst v63  }
0xbc: {  	_ =	swait.ge [sflag:s3], $0x80  }
0xbd: {  	[sflag:s3] =	ssyncset.done $0x0  }
0xbe: {  	[sflag:s3] =	ssyncadd.s32 $0xFFFFFF80  }
0xbf: {  	[tilespmem:s6], [sflag:$0x1] =	stream.indirect.gather [hbm4b:s5+s6], $0x80, s2, s6, $0xb8;
	[tilespmem:$0x4080] =	vst v63  }
0xc0: {  	_ =	swait.ge [sflag:s7], $0x4000  }
.Ltmp1:
0xc1: {  	[sflag:s7] =	ssyncset.done $0x0;
	(pc) =	sbr.rel @p0 .LBB2_1-.Ltmp1, $4  }
0xc2: {  	[sflag:s7] =	ssyncadd.s32 $0xFFFFC000  }
0xc3: {  	[hbm4b:s22+s2] =	stream.linear.scatter [tilespmem:s6], [sflag:$0x2], $0x4000, $0x38;
	[tilespmem:$0x4080] =	vst v63  }
0xc4: {  	_ =	swait.ge [sflag:s3], $0x4000  }
0xc5: {  	[sflag:s3] =	ssyncset.done $0x0  }
.LBB2_2:
0xc6: {  	[sflag:s3] =	ssyncadd.s32 $0xFFFFC000  }
0xc7: {  	_ =	sfence.sel $0x180000  }
0xc8: {  	[bflag:$0x0] =	sbarrier.arrive $0xFFFF  }
0xc9: {  	p0 =	sne.s32 s0, $0x0;
	_ =	strace $0x90000047  }
0xca: {  	s0 =	sadd.s32 @!p0 $0x100000, s1;
	[bflag:$0x2] =	sbarrier.arrive $0xFFFF  }
0xcb: {  	[sflag:s0] =	ssyncadd.tile.s32 @!p0 $0x1;
	_ =	shalt  }
.Lfunc_end2:
_tile_overlayer_lowered:
.L_overlay_start_2:
0xcc: {  	(tag) =	ssettag $0x2  }
0xcd: {  	s0 =	rddreg [dreg:$0x0];
	s2 =	stileid.u32  }
0xce: {  	s1 =	rddreg [dreg:$0x1];
	p0 =	sne.s32 s2, $0x0  }
0xcf: {  	s3 =	rddreg [dreg:$0x2];
	[bflag:$0x3] =	sbarrier.arrive $0xFFFF;
	s2 =	simm.s32 @!p0 $0x1C02  }
0xd0: {  	[timem:s3], [sflag:s2] =	dma.local @!p0 [hbm:s0], s1  }
0xd1: {  	s0 =	simm.s32 @!p0 $0x2  }
0xd2: {  	_ =	swait.ge @!p0 [sflag:s0], s1  }
0xd3: {  	s1 =	ssub.s32 @!p0 $0x0, s1;
	[sflag:s0] =	ssyncset.done @!p0 $0x0  }
0xd4: {  	[sflag:s0] =	ssyncadd.s32 @!p0 s1  }
0xd5: {  	[bflag:$0x3] =	sbarrier.arrive $0xFFFF  }
0xd6: {  	_ =	shalt  }

</sc_bundles>
